<compile_context>
chip_gen: v7x
topology: tpu7x:2x2x1
jax: 0.10.2.dev20260603
libtpu: 0.0.44.dev20260713+nightly
codegen_flags: <defaults>
</compile_context>

<pallas_src>
import functools
import jax
import jax.numpy as jnp
from jax import lax
from jax.experimental import pallas as pl
from jax.experimental.pallas import tpu as pltpu, tpu_sc as plsc

N = 10000
E_REAL = 330000
NW = 32
CHUNK = 128
NCH = 81
T_PER_W = CHUNK * NCH
E_PAD = T_PER_W * NW
N_PAD = 10240
ROWS_PER_TILE = N_PAD // 16
F = 16
FW = 32


def _sc_edge_pass():
    mesh = plsc.VectorSubcoreMesh(core_axis_name="c", subcore_axis_name="s")

    @functools.partial(
        pl.kernel,
        mesh=mesh,
        out_type=jax.ShapeDtypeStruct((2 * N_PAD, FW), jnp.float32),
        compiler_params=pltpu.CompilerParams(needs_layout_passes=False, use_tc_tiling_on_sc=False),
        scratch_types=[
            pltpu.VMEM((N,), jnp.float32),
            pltpu.VMEM((N,), jnp.float32),
            pltpu.VMEM((CHUNK,), jnp.int32),
            pltpu.VMEM((CHUNK,), jnp.int32),
            pltpu.VMEM((CHUNK, F), jnp.float32),
            pltpu.VMEM((CHUNK, FW), jnp.float32),
            pltpu.VMEM((CHUNK,), jnp.float32),
            pltpu.VMEM_SHARED((N_PAD, FW), jnp.float32),
            pltpu.SemaphoreType.DMA,
        ],
    )
    def k(src_hbm, dst_hbm, asrc_hbm, adst_hbm, xp_hbm, zeros_hbm, out_hbm,
          asrc_v, adst_v, sidx_v, didx_v, rows_v, orows_v, ex_v, acc_sh, sem):
        cid = lax.axis_index("c")
        sid = lax.axis_index("s")
        wid = cid * 16 + sid
        base = wid * T_PER_W
        iota16 = lax.broadcasted_iota(jnp.int32, (16,), 0)

        row0 = sid * ROWS_PER_TILE
        pltpu.sync_copy(zeros_hbm.at[pl.ds(row0, ROWS_PER_TILE)],
                        acc_sh.at[pl.ds(row0, ROWS_PER_TILE)])
        pltpu.sync_copy(asrc_hbm, asrc_v)
        pltpu.sync_copy(adst_hbm, adst_v)
        plsc.subcore_barrier()

        def chunk_body(ch, _):
            off = base + ch * CHUNK
            pltpu.sync_copy(src_hbm.at[pl.ds(off, CHUNK)], sidx_v)
            pltpu.sync_copy(dst_hbm.at[pl.ds(off, CHUNK)], didx_v)
            gather = pltpu.async_copy(xp_hbm.at[sidx_v], rows_v, sem)

            def vec_body(j, _):
                s16 = sidx_v[pl.ds(j * 16, 16)]
                d16 = didx_v[pl.ds(j * 16, 16)]
                a = plsc.load_gather(asrc_v, [s16]) + plsc.load_gather(adst_v, [d16])
                a = jnp.where(a >= 0.0, a, 0.2 * a)
                ex = jnp.exp(a)
                gid = off + j * 16 + iota16
                ex = jnp.where(gid < E_REAL, ex, 0.0)
                ex_v[pl.ds(j * 16, 16)] = ex
                return 0

            lax.fori_loop(0, CHUNK // 16, vec_body, 0)
            gather.wait()

            def row_body(j, _):
                jj = jnp.full((16,), j, jnp.int32)
                exs = plsc.load_gather(ex_v, [jj])
                row = plsc.load_gather(rows_v, [jj, iota16])
                plsc.store_scatter(orows_v, [jj, iota16], row * exs)
                ex0 = jnp.where(iota16 == 0, exs, 0.0)
                plsc.store_scatter(orows_v, [jj, iota16 + F], ex0)
                return 0

            lax.fori_loop(0, CHUNK, row_body, 0)
            pltpu.sync_copy(orows_v, acc_sh.at[didx_v], add=True)
            return 0

        lax.fori_loop(0, NCH, chunk_body, 0)
        plsc.subcore_barrier()

        pltpu.sync_copy(acc_sh.at[pl.ds(row0, ROWS_PER_TILE)],
                        out_hbm.at[pl.ds(cid * N_PAD + row0, ROWS_PER_TILE)])

    return k


def _mm_t(a, w):
    return lax.dot_general(a, w, (((1,), (1,)), ((), ())),
                           preferred_element_type=jnp.float32)


def _tc1(x_ref, w_ref, aw_s_ref, aw_d_ref, xp_ref, as_ref, ad_ref):
    xp = _mm_t(x_ref[:], w_ref[:])
    xp_ref[:] = xp
    as_ref[:] = jnp.sum(xp * aw_s_ref[:], axis=1, keepdims=True)
    ad_ref[:] = jnp.sum(xp * aw_d_ref[:], axis=1, keepdims=True)


def _tc2(acc_ref, b_ref, w2_ref, aw_s_ref, aw_d_ref, xp_ref, as_ref, ad_ref):
    num = acc_ref[0:N, :] + acc_ref[N_PAD:N_PAD + N, :]
    h = num[:, 0:F] / (num[:, F:F + 1] + 1e-16) + b_ref[:]
    h = jnp.where(h >= 0.0, h, 0.01 * h)
    xp = _mm_t(h, w2_ref[:])
    xp_ref[:] = xp
    as_ref[:] = jnp.sum(xp * aw_s_ref[:], axis=1, keepdims=True)
    ad_ref[:] = jnp.sum(xp * aw_d_ref[:], axis=1, keepdims=True)


def _leaky(x):
    return jnp.where(x >= 0.0, x, 0.01 * x)


def _tc3(acc_ref, b_ref, batch_ref,
         cw1_ref, cb1_ref, cw2_ref, cb2_ref, cw3_ref, cb3_ref,
         rw1_ref, rb1_ref, rw2_ref, rb2_ref, rw3_ref, rb3_ref, out_ref):
    num = acc_ref[0:N, :] + acc_ref[N_PAD:N_PAD + N, :]
    out2 = _leaky(num[:, 0:F] / (num[:, F:F + 1] + 1e-16) + b_ref[:])

    gids = lax.broadcasted_iota(jnp.int32, (N, 64), 1)
    oneh = (batch_ref[:] == gids).astype(jnp.float32)
    seg = lax.dot_general(oneh, out2, (((0,), (0,)), ((), ())),
                          preferred_element_type=jnp.float32)
    counts = jnp.sum(oneh, axis=0, keepdims=True)
    mean = seg / jnp.maximum(counts, 1.0).T

    neg = jnp.float32(-jnp.inf)
    gcol = lax.broadcasted_iota(jnp.int32, (64, 1), 0)

    def g_body(g, maxp):
        m = batch_ref[:] == g
        mg = jnp.max(jnp.where(m, out2, neg), axis=0, keepdims=True)
        rowsel = gcol == g
        return jnp.where(rowsel, jnp.broadcast_to(mg, (64, F)), maxp)

    maxp = lax.fori_loop(0, 64, g_body, jnp.full((64, F), neg, jnp.float32))

    pooled = jnp.concatenate([mean, maxp], axis=1)

    chi = _leaky(_mm_t(pooled, cw1_ref[:]) + cb1_ref[:])
    chi = _leaky(_mm_t(chi, cw2_ref[:]) + cb2_ref[:])
    chi = jnp.sum(chi * cw3_ref[:], axis=1, keepdims=True) + cb3_ref[0, 0]
    rp = _leaky(_mm_t(pooled, rw1_ref[:]) + rb1_ref[:])
    rp = _leaky(_mm_t(rp, rw2_ref[:]) + rb2_ref[:])
    rp = jnp.sum(rp * rw3_ref[:], axis=1, keepdims=True) + rb3_ref[0, 0]
    out_ref[:] = jnp.concatenate([chi, rp], axis=1)


def _tc_call(fn, out_shapes, *args):
    return pl.pallas_call(fn, out_shape=out_shapes)(*args)


@jax.jit
def kernel(X, Edge_index, Edge_weight, Batching, conv1_w, conv1_att_src,
           conv1_att_dst, conv1_b, conv2_w, conv2_att_src, conv2_att_dst,
           conv2_b, chi_w1, chi_b1, chi_w2, chi_b2, chi_w3, chi_b3,
           rp_w1, rp_b1, rp_w2, rp_b2, rp_w3, rp_b3):
    f32 = jnp.float32
    loops = jnp.arange(N, dtype=jnp.int32)
    src = jnp.concatenate([Edge_index[0], loops])
    dst = jnp.concatenate([Edge_index[1], loops])
    src = jnp.pad(src, (0, E_PAD - E_REAL))
    dst = jnp.pad(dst, (0, E_PAD - E_REAL))
    zeros = jnp.zeros((N_PAD, FW), f32)

    sc_pass = _sc_edge_pass()

    xp1, as1, ad1 = _tc_call(
        _tc1,
        (jax.ShapeDtypeStruct((N, F), f32),
         jax.ShapeDtypeStruct((N, 1), f32),
         jax.ShapeDtypeStruct((N, 1), f32)),
        X, conv1_w, conv1_att_src.reshape(1, F), conv1_att_dst.reshape(1, F))
    acc1 = sc_pass(src, dst, as1.reshape(N), ad1.reshape(N), xp1, zeros)

    xp2, as2, ad2 = _tc_call(
        _tc2,
        (jax.ShapeDtypeStruct((N, F), f32),
         jax.ShapeDtypeStruct((N, 1), f32),
         jax.ShapeDtypeStruct((N, 1), f32)),
        acc1, conv1_b.reshape(1, F), conv2_w,
        conv2_att_src.reshape(1, F), conv2_att_dst.reshape(1, F))
    acc2 = sc_pass(src, dst, as2.reshape(N), ad2.reshape(N), xp2, zeros)

    out = _tc_call(
        _tc3,
        jax.ShapeDtypeStruct((64, 2), f32),
        acc2, conv2_b.reshape(1, F), Batching.reshape(N, 1),
        chi_w1, chi_b1.reshape(1, 32), chi_w2, chi_b2.reshape(1, 32),
        chi_w3, chi_b3.reshape(1, 1),
        rp_w1, rp_b1.reshape(1, 32), rp_w2, rp_b2.reshape(1, 32),
        rp_w3, rp_b3.reshape(1, 1))
    return out

# --- scband reference (transcript-rebuilt; emitter-appended) ---
"""Pipeline reference for scband-model-1-2-34153579938540 (READ-ONLY COPY).

The authoritative reference and input builder live on the scoring server;
editing this copy changes nothing except your own understanding.
"""

import jax, jax.numpy as jnp
import numpy as np

N_NODES = 10000
N_EDGES = 320000
IN_CH = 128
GCN = 16
DENSE = 32
NUM_GRAPHS = 64


def setup_inputs(seed: int = 0):
    key = jax.random.key(seed)
    ks = jax.random.split(key, 32)

    def unif(k, shape, fan_in):
        b = 1.0 / np.sqrt(fan_in)
        return jax.random.uniform(k, shape, minval=-b, maxval=b, dtype=jnp.float32)

    inp = {}
    inp['X'] = jax.random.normal(ks[0], (N_NODES, IN_CH), dtype=jnp.float32)
    inp['Edge_index'] = jax.random.randint(ks[1], (2, N_EDGES), 0, N_NODES, dtype=jnp.int32)
    inp['Edge_weight'] = jax.random.uniform(ks[2], (N_EDGES,), dtype=jnp.float32)
    inp['Batching'] = jnp.sort(jax.random.randint(ks[3], (N_NODES,), 0, NUM_GRAPHS, dtype=jnp.int32))
    inp['conv1_w'] = unif(ks[4], (GCN, IN_CH), IN_CH)
    inp['conv1_att_src'] = unif(ks[5], (GCN,), GCN)
    inp['conv1_att_dst'] = unif(ks[6], (GCN,), GCN)
    inp['conv1_b'] = jnp.zeros((GCN,), jnp.float32)
    inp['conv2_w'] = unif(ks[7], (GCN, GCN), GCN)
    inp['conv2_att_src'] = unif(ks[8], (GCN,), GCN)
    inp['conv2_att_dst'] = unif(ks[9], (GCN,), GCN)
    inp['conv2_b'] = jnp.zeros((GCN,), jnp.float32)
    inp['chi_w1'] = unif(ks[10], (DENSE, 2 * GCN), 2 * GCN)
    inp['chi_b1'] = unif(ks[11], (DENSE,), 2 * GCN)
    inp['chi_w2'] = unif(ks[12], (DENSE, DENSE), DENSE)
    inp['chi_b2'] = unif(ks[13], (DENSE,), DENSE)
    inp['chi_w3'] = unif(ks[14], (1, DENSE), DENSE)
    inp['chi_b3'] = unif(ks[15], (1,), DENSE)
    inp['rp_w1'] = unif(ks[16], (DENSE, 2 * GCN), 2 * GCN)
    inp['rp_b1'] = unif(ks[17], (DENSE,), 2 * GCN)
    inp['rp_w2'] = unif(ks[18], (DENSE, DENSE), DENSE)
    inp['rp_b2'] = unif(ks[19], (DENSE,), DENSE)
    inp['rp_w3'] = unif(ks[20], (1, DENSE), DENSE)
    inp['rp_b3'] = unif(ks[21], (1,), DENSE)
    return inp


def _gat_conv(x, src, dst, lin_w, att_src, att_dst, bias, num_nodes):
    xp = x @ lin_w.T
    a_src = (xp * att_src).sum(axis=-1)
    a_dst = (xp * att_dst).sum(axis=-1)
    alpha = jax.nn.leaky_relu(a_src[src] + a_dst[dst], negative_slope=0.2)
    amax = jax.ops.segment_max(alpha, dst, num_segments=num_nodes)
    amax = jax.lax.stop_gradient(jnp.where(jnp.isfinite(amax), amax, 0.0))
    ex = jnp.exp(alpha - amax[dst])
    denom = jax.ops.segment_sum(ex, dst, num_segments=num_nodes)
    coef = ex / (denom[dst] + 1e-16)
    out = jax.ops.segment_sum(xp[src] * coef[:, None], dst, num_segments=num_nodes)
    return out + bias


def _forward(X, Edge_weight, conv1_w, conv1_att_src, conv1_att_dst, conv1_b, conv2_w, conv2_att_src, conv2_att_dst, conv2_b, chi_w1, chi_b1, chi_w2, chi_b2, chi_w3, chi_b3, rp_w1, rp_b1, rp_w2, rp_b2, rp_w3, rp_b3, Edge_index, Batching):
    n = X.shape[0]
    loops = jnp.arange(n, dtype=Edge_index.dtype)
    src = jnp.concatenate([Edge_index[0], loops])
    dst = jnp.concatenate([Edge_index[1], loops])
    # add_self_loops fills edge_weight with 1.0, but GATConv with edge_dim=None
    # ignores edge_attr entirely (lin_edge is None), matching PyG semantics.
    _ = jnp.concatenate([Edge_weight, jnp.ones((n,), X.dtype)])
    out = jax.nn.leaky_relu(_gat_conv(X, src, dst, conv1_w, conv1_att_src, conv1_att_dst, conv1_b, n), negative_slope=0.01)
    out = jax.nn.leaky_relu(_gat_conv(out, src, dst, conv2_w, conv2_att_src, conv2_att_dst, conv2_b, n), negative_slope=0.01)
    seg_sum = jax.ops.segment_sum(out, Batching, num_segments=NUM_GRAPHS)
    counts = jax.ops.segment_sum(jnp.ones((n,), out.dtype), Batching, num_segments=NUM_GRAPHS)
    out_mean = seg_sum / jnp.maximum(counts, 1.0)[:, None]
    out_max = jax.ops.segment_max(out, Batching, num_segments=NUM_GRAPHS)
    pooled = jnp.concatenate([out_mean, out_max], axis=1)
    chi = jax.nn.leaky_relu(pooled @ chi_w1.T + chi_b1, negative_slope=0.01)
    chi = jax.nn.leaky_relu(chi @ chi_w2.T + chi_b2, negative_slope=0.01)
    chi = chi @ chi_w3.T + chi_b3
    rp = jax.nn.leaky_relu(pooled @ rp_w1.T + rp_b1, negative_slope=0.01)
    rp = jax.nn.leaky_relu(rp @ rp_w2.T + rp_b2, negative_slope=0.01)
    rp = rp @ rp_w3.T + rp_b3
    return jnp.concatenate([chi, rp], axis=1)


def reference(X, Edge_index, Edge_weight, Batching, conv1_w, conv1_att_src, conv1_att_dst, conv1_b, conv2_w, conv2_att_src, conv2_att_dst, conv2_b, chi_w1, chi_b1, chi_w2, chi_b2, chi_w3, chi_b3, rp_w1, rp_b1, rp_w2, rp_b2, rp_w3, rp_b3):
    return _forward(X, Edge_weight, conv1_w, conv1_att_src, conv1_att_dst, conv1_b, conv2_w, conv2_att_src, conv2_att_dst, conv2_b, chi_w1, chi_b1, chi_w2, chi_b2, chi_w3, chi_b3, rp_w1, rp_b1, rp_w2, rp_b2, rp_w3, rp_b3, Edge_index, Batching)

if __name__ == "__main__":
    import jax
    _d = setup_inputs()
    print(jax.jit(kernel)(*tuple(_d.values())))

</pallas_src>

<mosaic_0001>
#map = affine_map<(d0, d1) -> (0)>
#map1 = affine_map<(d0, d1) -> (0, 0)>
module attributes {stable_mosaic.version = 14 : i64} {
  func.func @k(%arg0: i32, %arg1: i32, %arg2: memref<331776xi32, #tpu.memory_space<hbm>>, %arg3: memref<331776xi32, #tpu.memory_space<hbm>>, %arg4: memref<10000xf32, #tpu.memory_space<hbm>>, %arg5: memref<10000xf32, #tpu.memory_space<hbm>>, %arg6: memref<10000x16xf32, #tpu.memory_space<hbm>>, %arg7: memref<10240x32xf32, #tpu.memory_space<hbm>>, %arg8: memref<20480x32xf32, #tpu.memory_space<hbm>>, %arg9: memref<10000xf32, #tpu.memory_space<vmem>>, %arg10: memref<10000xf32, #tpu.memory_space<vmem>>, %arg11: memref<128xi32, #tpu.memory_space<vmem>>, %arg12: memref<128xi32, #tpu.memory_space<vmem>>, %arg13: memref<128x16xf32, #tpu.memory_space<vmem>>, %arg14: memref<128x32xf32, #tpu.memory_space<vmem>>, %arg15: memref<128xf32, #tpu.memory_space<vmem>>, %arg16: memref<10240x32xf32, #tpu.memory_space<vmem_shared>>, %arg17: memref<!tpu.dma_semaphore, #tpu.memory_space<semaphore_mem>>) attributes {dimension_semantics = [#tpu.dimension_semantics<core_parallel>, #tpu.dimension_semantics<subcore_parallel>], iteration_bounds = array<i64: 2, 16>, scalar_prefetch = 0 : i64, scratch_operands = 9 : i64, tpu.core_type = #tpu.core_type<sc_vector_subcore>, window_params = [{transform_indices = #map}, {transform_indices = #map}, {transform_indices = #map}, {transform_indices = #map}, {transform_indices = #map1}, {transform_indices = #map1}, {transform_indices = #map1}]} {
    %mul3A = arith.constant 16 : i32
    %mul3A_0 = arith.muli %arg0, %mul3A : i32
    %add3A = arith.addi %mul3A_0, %arg1 : i32
    %mul3A_1 = arith.constant 10368 : i32
    %mul3A_2 = arith.muli %add3A, %mul3A_1 : i32
    %iota3A = tpu.iota {dimensions = array<i32: 0>} : vector<16xi32>
    %mul3A_3 = arith.constant 640 : i32
    %mul3A_4 = arith.muli %arg1, %mul3A_3 : i32
    "tpu.region"() ({
      %run_scoped3A = tpu.sem_alloc : memref<!tpu.dma_semaphore, #tpu.memory_space<semaphore_mem>>
      %dma_start3A = arith.constant 0 : i32
      %dma_start3A_15 = tpu.memref_slice %arg16[%mul3A_4, %dma_start3A] : memref<10240x32xf32, #tpu.memory_space<vmem_shared>> -> memref<640x32xf32, #tpu.memory_space<vmem_shared>>
      %dma_start3A_16 = arith.constant 0 : i32
      %dma_start3A_17 = tpu.memref_slice %arg7[%mul3A_4, %dma_start3A_16] : memref<10240x32xf32, #tpu.memory_space<hbm>> -> memref<640x32xf32, #tpu.memory_space<hbm>>
      tpu.enqueue_dma source(%dma_start3A_17 : memref<640x32xf32, #tpu.memory_space<hbm>>) target(%dma_start3A_15 : memref<640x32xf32, #tpu.memory_space<vmem_shared>>) target_semaphore(%run_scoped3A : memref<!tpu.dma_semaphore, #tpu.memory_space<semaphore_mem>>)
      %dma_wait3A = arith.constant 0 : i32
      %dma_wait3A_18 = tpu.memref_slice %arg16[%mul3A_4, %dma_wait3A] : memref<10240x32xf32, #tpu.memory_space<vmem_shared>> -> memref<640x32xf32, #tpu.memory_space<vmem_shared>>
      %dma_wait3A_19 = arith.constant 0 : i32
      %dma_wait3A_20 = tpu.memref_slice %arg7[%mul3A_4, %dma_wait3A_19] : memref<10240x32xf32, #tpu.memory_space<hbm>> -> memref<640x32xf32, #tpu.memory_space<hbm>>
      tpu.wait_dma2 semaphore(%run_scoped3A : memref<!tpu.dma_semaphore, #tpu.memory_space<semaphore_mem>>) src(%dma_wait3A_20 : memref<640x32xf32, #tpu.memory_space<hbm>>) dst(%dma_wait3A_18 : memref<640x32xf32, #tpu.memory_space<vmem_shared>>)
      tpu.yield
    }) : () -> ()
    "tpu.region"() ({
      %run_scoped3A = tpu.sem_alloc : memref<!tpu.dma_semaphore, #tpu.memory_space<semaphore_mem>>
      tpu.enqueue_dma source(%arg4 : memref<10000xf32, #tpu.memory_space<hbm>>) target(%arg9 : memref<10000xf32, #tpu.memory_space<vmem>>) target_semaphore(%run_scoped3A : memref<!tpu.dma_semaphore, #tpu.memory_space<semaphore_mem>>)
      tpu.wait_dma2 semaphore(%run_scoped3A : memref<!tpu.dma_semaphore, #tpu.memory_space<semaphore_mem>>) src(%arg4 : memref<10000xf32, #tpu.memory_space<hbm>>) dst(%arg9 : memref<10000xf32, #tpu.memory_space<vmem>>)
      tpu.yield
    }) : () -> ()
    "tpu.region"() ({
      %run_scoped3A = tpu.sem_alloc : memref<!tpu.dma_semaphore, #tpu.memory_space<semaphore_mem>>
      tpu.enqueue_dma source(%arg5 : memref<10000xf32, #tpu.memory_space<hbm>>) target(%arg10 : memref<10000xf32, #tpu.memory_space<vmem>>) target_semaphore(%run_scoped3A : memref<!tpu.dma_semaphore, #tpu.memory_space<semaphore_mem>>)
      tpu.wait_dma2 semaphore(%run_scoped3A : memref<!tpu.dma_semaphore, #tpu.memory_space<semaphore_mem>>) src(%arg5 : memref<10000xf32, #tpu.memory_space<hbm>>) dst(%arg10 : memref<10000xf32, #tpu.memory_space<vmem>>)
      tpu.yield
    }) : () -> ()
    %barrier3A = arith.constant 0 : index
    tpu.barrier barrier_id(%barrier3A)
    %scan3A = arith.constant 0 : i32
    %scan3A_5 = arith.constant 0 : i32
    %scan3A_6 = arith.constant 81 : i32
    %scan3A_7 = arith.addi %scan3A_5, %scan3A_6 : i32
    %scan3A_8 = arith.constant 1 : i32
    %scan3A_9 = scf.for %scan3A_15 = %scan3A_5 to %scan3A_7 step %scan3A_8 iter_args(%scan3A_16 = %scan3A) -> (i32)  : i32 {
      %mul3A_17 = arith.constant 128 : i32
      %mul3A_18 = arith.muli %scan3A_15, %mul3A_17 : i32
      %add3A_19 = arith.addi %mul3A_2, %mul3A_18 : i32
      "tpu.region"() ({
        %run_scoped3A = tpu.sem_alloc : memref<!tpu.dma_semaphore, #tpu.memory_space<semaphore_mem>>
        %dma_start3A_39 = tpu.memref_slice %arg2[%add3A_19] : memref<331776xi32, #tpu.memory_space<hbm>> -> memref<128xi32, #tpu.memory_space<hbm>>
        %dma_start3A_40 = tpu.memref_slice %arg2[%add3A_19] : memref<331776xi32, #tpu.memory_space<hbm>> -> memref<128xi32, #tpu.memory_space<hbm>>
        tpu.enqueue_dma source(%dma_start3A_40 : memref<128xi32, #tpu.memory_space<hbm>>) target(%arg11 : memref<128xi32, #tpu.memory_space<vmem>>) target_semaphore(%run_scoped3A : memref<!tpu.dma_semaphore, #tpu.memory_space<semaphore_mem>>)
        %dma_wait3A_41 = tpu.memref_slice %arg2[%add3A_19] : memref<331776xi32, #tpu.memory_space<hbm>> -> memref<128xi32, #tpu.memory_space<hbm>>
        %dma_wait3A_42 = tpu.memref_slice %arg2[%add3A_19] : memref<331776xi32, #tpu.memory_space<hbm>> -> memref<128xi32, #tpu.memory_space<hbm>>
        tpu.wait_dma2 semaphore(%run_scoped3A : memref<!tpu.dma_semaphore, #tpu.memory_space<semaphore_mem>>) src(%dma_wait3A_42 : memref<128xi32, #tpu.memory_space<hbm>>) dst(%arg11 : memref<128xi32, #tpu.memory_space<vmem>>)
        tpu.yield
      }) : () -> ()
      "tpu.region"() ({
        %run_scoped3A = tpu.sem_alloc : memref<!tpu.dma_semaphore, #tpu.memory_space<semaphore_mem>>
        %dma_start3A_39 = tpu.memref_slice %arg3[%add3A_19] : memref<331776xi32, #tpu.memory_space<hbm>> -> memref<128xi32, #tpu.memory_space<hbm>>
        %dma_start3A_40 = tpu.memref_slice %arg3[%add3A_19] : memref<331776xi32, #tpu.memory_space<hbm>> -> memref<128xi32, #tpu.memory_space<hbm>>
        tpu.enqueue_dma source(%dma_start3A_40 : memref<128xi32, #tpu.memory_space<hbm>>) target(%arg12 : memref<128xi32, #tpu.memory_space<vmem>>) target_semaphore(%run_scoped3A : memref<!tpu.dma_semaphore, #tpu.memory_space<semaphore_mem>>)
        %dma_wait3A_41 = tpu.memref_slice %arg3[%add3A_19] : memref<331776xi32, #tpu.memory_space<hbm>> -> memref<128xi32, #tpu.memory_space<hbm>>
        %dma_wait3A_42 = tpu.memref_slice %arg3[%add3A_19] : memref<331776xi32, #tpu.memory_space<hbm>> -> memref<128xi32, #tpu.memory_space<hbm>>
        tpu.wait_dma2 semaphore(%run_scoped3A : memref<!tpu.dma_semaphore, #tpu.memory_space<semaphore_mem>>) src(%dma_wait3A_42 : memref<128xi32, #tpu.memory_space<hbm>>) dst(%arg12 : memref<128xi32, #tpu.memory_space<vmem>>)
        tpu.yield
      }) : () -> ()
      %dma_start3A = arith.constant 0 : i32
      %dma_start3A_20 = arith.constant 0 : i32
      %dma_start3A_21 = tpu.memref_slice %arg6[%dma_start3A, %dma_start3A_20] : memref<10000x16xf32, #tpu.memory_space<hbm>> -> memref<10000x16xf32, #tpu.memory_space<hbm>>
      tpu.enqueue_indirect_dma source(%dma_start3A_21 : memref<10000x16xf32, #tpu.memory_space<hbm>>) target(%arg13 : memref<128x16xf32, #tpu.memory_space<vmem>>) offsets(%arg11 : memref<128xi32, #tpu.memory_space<vmem>>) semaphore(%arg17 : memref<!tpu.dma_semaphore, #tpu.memory_space<semaphore_mem>>)
      %scan3A_22 = arith.constant 0 : i32
      %scan3A_23 = arith.constant 0 : i32
      %scan3A_24 = arith.constant 8 : i32
      %scan3A_25 = arith.addi %scan3A_23, %scan3A_24 : i32
      %scan3A_26 = arith.constant 1 : i32
      %scan3A_27 = scf.for %scan3A_39 = %scan3A_23 to %scan3A_25 step %scan3A_26 iter_args(%scan3A_40 = %scan3A_22) -> (i32)  : i32 {
        %mul3A_41 = arith.constant 16 : i32
        %mul3A_42 = arith.muli %scan3A_39, %mul3A_41 : i32
        %get3A = arith.index_cast %mul3A_42 : i32 to index
        %get3A_43 = tpu.vector_load %arg11[%get3A] {strides = array<i32>} : memref<128xi32, #tpu.memory_space<vmem>>, vector<16xi32>,
        %mul3A_44 = arith.constant 16 : i32
        %mul3A_45 = arith.muli %scan3A_39, %mul3A_44 : i32
        %get3A_46 = arith.index_cast %mul3A_45 : i32 to index
        %get3A_47 = tpu.vector_load %arg12[%get3A_46] {strides = array<i32>} : memref<128xi32, #tpu.memory_space<vmem>>, vector<16xi32>,
        %gather3A = tpu.vector_load_idx %arg9[%get3A_43] : memref<10000xf32, #tpu.memory_space<vmem>>[vector<16xi32>], vector<16xf32>,
        %gather3A_48 = tpu.vector_load_idx %arg10[%get3A_47] : memref<10000xf32, #tpu.memory_space<vmem>>[vector<16xi32>], vector<16xf32>,
        %add3A_49 = arith.addf %gather3A, %gather3A_48 : vector<16xf32>
        %ge3A = arith.constant 0.000000e+00 : f32
        %ge3A_50 = vector.broadcast %ge3A : f32 to vector<16xf32>
        %ge3A_51 = arith.cmpf oge, %add3A_49, %ge3A_50 : vector<16xf32>
        %mul3A_52 = arith.constant 2.000000e-01 : f32
        %mul3A_53 = vector.broadcast %mul3A_52 : f32 to vector<16xf32>
        %mul3A_54 = arith.mulf %mul3A_53, %add3A_49 : vector<16xf32>
        %select_n3A = arith.select %ge3A_51, %add3A_49, %mul3A_54 : vector<16xi1>, vector<16xf32>
        %exp3A = math.exp %select_n3A : vector<16xf32>
        %mul3A_55 = arith.constant 16 : i32
        %mul3A_56 = arith.muli %scan3A_39, %mul3A_55 : i32
        %add3A_57 = arith.addi %add3A_19, %mul3A_56 : i32
        %add3A_58 = vector.broadcast %add3A_57 : i32 to vector<16xi32>
        %add3A_59 = arith.addi %add3A_58, %iota3A : vector<16xi32>
        %lt3A = arith.constant 330000 : i32
        %lt3A_60 = vector.broadcast %lt3A : i32 to vector<16xi32>
        %lt3A_61 = arith.cmpi slt, %add3A_59, %lt3A_60 : vector<16xi32>
        %jit3A = arith.constant 0.000000e+00 : f32
        %broadcast_in_dim3A = vector.broadcast %jit3A : f32 to vector<16xf32>
        %select_n3A_62 = arith.select %lt3A_61, %exp3A, %broadcast_in_dim3A : vector<16xi1>, vector<16xf32>
        %mul3A_63 = arith.constant 16 : i32
        %mul3A_64 = arith.muli %scan3A_39, %mul3A_63 : i32
        %swap3A = arith.index_cast %mul3A_64 : i32 to index
        %swap3A_65 = tpu.vector_load %arg15[%swap3A] {strides = array<i32>} : memref<128xf32, #tpu.memory_space<vmem>>, vector<16xf32>,
        tpu.vector_store %arg15[%swap3A], %select_n3A_62 {strides = array<i32>} : memref<128xf32, #tpu.memory_space<vmem>>, vector<16xf32>,
        %scan3A_66 = arith.constant 0 : i32
        scf.yield %scan3A_66 : i32
      }
      %scan3A_28 = arith.constant 8 : i32
      %dma_wait3A = arith.constant 0 : i32
      %dma_wait3A_29 = arith.constant 0 : i32
      %dma_wait3A_30 = tpu.memref_slice %arg6[%dma_wait3A, %dma_wait3A_29] : memref<10000x16xf32, #tpu.memory_space<hbm>> -> memref<10000x16xf32, #tpu.memory_space<hbm>>
      tpu.wait_indirect_dma semaphore(%arg17 : memref<!tpu.dma_semaphore, #tpu.memory_space<semaphore_mem>>) src(%dma_wait3A_30 : memref<10000x16xf32, #tpu.memory_space<hbm>>) dst(%arg13 : memref<128x16xf32, #tpu.memory_space<vmem>>)
      %scan3A_31 = arith.constant 0 : i32
      %scan3A_32 = arith.constant 0 : i32
      %scan3A_33 = arith.constant 128 : i32
      %scan3A_34 = arith.addi %scan3A_32, %scan3A_33 : i32
      %scan3A_35 = arith.constant 1 : i32
      %scan3A_36 = scf.for %scan3A_39 = %scan3A_32 to %scan3A_34 step %scan3A_35 iter_args(%scan3A_40 = %scan3A_31) -> (i32)  : i32 {
        %broadcast_in_dim3A = vector.broadcast %scan3A_39 : i32 to vector<16xi32>
        %gather3A = tpu.vector_load_idx %arg15[%broadcast_in_dim3A] : memref<128xf32, #tpu.memory_space<vmem>>[vector<16xi32>], vector<16xf32>,
        %gather3A_41 = tpu.vector_load_idx %arg13[%broadcast_in_dim3A, %iota3A] : memref<128x16xf32, #tpu.memory_space<vmem>>[vector<16xi32>, vector<16xi32>], vector<16xf32>,
        %mul3A_42 = arith.mulf %gather3A_41, %gather3A : vector<16xf32>
        tpu.vector_store_idx %arg14[%broadcast_in_dim3A, %iota3A], %mul3A_42 : memref<128x32xf32, #tpu.memory_space<vmem>>[vector<16xi32>, vector<16xi32>], vector<16xf32>,
        %eq3A = arith.constant 0 : i32
        %eq3A_43 = vector.broadcast %eq3A : i32 to vector<16xi32>
        %eq3A_44 = arith.cmpi eq, %iota3A, %eq3A_43 : vector<16xi32>
        %jit3A = arith.constant 0.000000e+00 : f32
        %broadcast_in_dim3A_45 = vector.broadcast %jit3A : f32 to vector<16xf32>
        %select_n3A = arith.select %eq3A_44, %gather3A, %broadcast_in_dim3A_45 : vector<16xi1>, vector<16xf32>
        %add3A_46 = arith.constant 16 : i32
        %add3A_47 = vector.broadcast %add3A_46 : i32 to vector<16xi32>
        %add3A_48 = arith.addi %iota3A, %add3A_47 : vector<16xi32>
        tpu.vector_store_idx %arg14[%broadcast_in_dim3A, %add3A_48], %select_n3A : memref<128x32xf32, #tpu.memory_space<vmem>>[vector<16xi32>, vector<16xi32>], vector<16xf32>,
        %scan3A_49 = arith.constant 0 : i32
        scf.yield %scan3A_49 : i32
      }
      %scan3A_37 = arith.constant 128 : i32
      "tpu.region"() ({
        %run_scoped3A = tpu.sem_alloc : memref<!tpu.dma_semaphore, #tpu.memory_space<semaphore_mem>>
        %dma_start3A_39 = arith.constant 0 : i32
        %dma_start3A_40 = arith.constant 0 : i32
        %dma_start3A_41 = tpu.memref_slice %arg16[%dma_start3A_39, %dma_start3A_40] : memref<10240x32xf32, #tpu.memory_space<vmem_shared>> -> memref<10240x32xf32, #tpu.memory_space<vmem_shared>>
        tpu.enqueue_indirect_dma source(%arg14 : memref<128x32xf32, #tpu.memory_space<vmem>>) target(%dma_start3A_41 : memref<10240x32xf32, #tpu.memory_space<vmem_shared>>) offsets(%arg12 : memref<128xi32, #tpu.memory_space<vmem>>) semaphore(%run_scoped3A : memref<!tpu.dma_semaphore, #tpu.memory_space<semaphore_mem>>) {add = true}
        %dma_wait3A_42 = arith.constant 0 : i32
        %dma_wait3A_43 = arith.constant 0 : i32
        %dma_wait3A_44 = tpu.memref_slice %arg16[%dma_wait3A_42, %dma_wait3A_43] : memref<10240x32xf32, #tpu.memory_space<vmem_shared>> -> memref<10240x32xf32, #tpu.memory_space<vmem_shared>>
        tpu.wait_indirect_dma semaphore(%run_scoped3A : memref<!tpu.dma_semaphore, #tpu.memory_space<semaphore_mem>>) src(%arg14 : memref<128x32xf32, #tpu.memory_space<vmem>>) dst(%dma_wait3A_44 : memref<10240x32xf32, #tpu.memory_space<vmem_shared>>)
        tpu.yield
      }) : () -> ()
      %scan3A_38 = arith.constant 0 : i32
      scf.yield %scan3A_38 : i32
    }
    %scan3A_10 = arith.constant 81 : i32
    %barrier3A_11 = arith.constant 0 : index
    tpu.barrier barrier_id(%barrier3A_11)
    %mul3A_12 = arith.constant 10240 : i32
    %mul3A_13 = arith.muli %arg0, %mul3A_12 : i32
    %add3A_14 = arith.addi %mul3A_13, %mul3A_4 : i32
    "tpu.region"() ({
      %run_scoped3A = tpu.sem_alloc : memref<!tpu.dma_semaphore, #tpu.memory_space<semaphore_mem>>
      %dma_start3A = arith.constant 0 : i32
      %dma_start3A_15 = tpu.memref_slice %arg8[%add3A_14, %dma_start3A] : memref<20480x32xf32, #tpu.memory_space<hbm>> -> memref<640x32xf32, #tpu.memory_space<hbm>>
      %dma_start3A_16 = arith.constant 0 : i32
      %dma_start3A_17 = tpu.memref_slice %arg16[%mul3A_4, %dma_start3A_16] : memref<10240x32xf32, #tpu.memory_space<vmem_shared>> -> memref<640x32xf32, #tpu.memory_space<vmem_shared>>
      tpu.enqueue_dma source(%dma_start3A_17 : memref<640x32xf32, #tpu.memory_space<vmem_shared>>) target(%dma_start3A_15 : memref<640x32xf32, #tpu.memory_space<hbm>>) target_semaphore(%run_scoped3A : memref<!tpu.dma_semaphore, #tpu.memory_space<semaphore_mem>>)
      %dma_wait3A = arith.constant 0 : i32
      %dma_wait3A_18 = tpu.memref_slice %arg8[%add3A_14, %dma_wait3A] : memref<20480x32xf32, #tpu.memory_space<hbm>> -> memref<640x32xf32, #tpu.memory_space<hbm>>
      %dma_wait3A_19 = arith.constant 0 : i32
      %dma_wait3A_20 = tpu.memref_slice %arg16[%mul3A_4, %dma_wait3A_19] : memref<10240x32xf32, #tpu.memory_space<vmem_shared>> -> memref<640x32xf32, #tpu.memory_space<vmem_shared>>
      tpu.wait_dma2 semaphore(%run_scoped3A : memref<!tpu.dma_semaphore, #tpu.memory_space<semaphore_mem>>) src(%dma_wait3A_20 : memref<640x32xf32, #tpu.memory_space<vmem_shared>>) dst(%dma_wait3A_18 : memref<640x32xf32, #tpu.memory_space<hbm>>)
      tpu.yield
    }) : () -> ()
    return
  }
}

#map = affine_map<(d0, d1) -> (0)>
#map1 = affine_map<(d0, d1) -> (0, 0)>
module attributes {stable_mosaic.version = 14 : i64} {
  func.func @k(%arg0: i32, %arg1: i32, %arg2: memref<331776xi32, #tpu.memory_space<hbm>>, %arg3: memref<331776xi32, #tpu.memory_space<hbm>>, %arg4: memref<10000xf32, #tpu.memory_space<hbm>>, %arg5: memref<10000xf32, #tpu.memory_space<hbm>>, %arg6: memref<10000x16xf32, #tpu.memory_space<hbm>>, %arg7: memref<10240x32xf32, #tpu.memory_space<hbm>>, %arg8: memref<20480x32xf32, #tpu.memory_space<hbm>>, %arg9: memref<10000xf32, #tpu.memory_space<vmem>>, %arg10: memref<10000xf32, #tpu.memory_space<vmem>>, %arg11: memref<128xi32, #tpu.memory_space<vmem>>, %arg12: memref<128xi32, #tpu.memory_space<vmem>>, %arg13: memref<128x16xf32, #tpu.memory_space<vmem>>, %arg14: memref<128x32xf32, #tpu.memory_space<vmem>>, %arg15: memref<128xf32, #tpu.memory_space<vmem>>, %arg16: memref<10240x32xf32, #tpu.memory_space<vmem_shared>>, %arg17: memref<!tpu.dma_semaphore, #tpu.memory_space<semaphore_mem>>) attributes {dimension_semantics = [#tpu.dimension_semantics<core_parallel>, #tpu.dimension_semantics<subcore_parallel>], iteration_bounds = array<i64: 2, 16>, scalar_prefetch = 0 : i64, scratch_operands = 9 : i64, tpu.core_type = #tpu.core_type<sc_vector_subcore>, window_params = [{transform_indices = #map}, {transform_indices = #map}, {transform_indices = #map}, {transform_indices = #map}, {transform_indices = #map1}, {transform_indices = #map1}, {transform_indices = #map1}]} {
    %mul3A = arith.constant 16 : i32
    %mul3A_0 = arith.muli %arg0, %mul3A : i32
    %add3A = arith.addi %mul3A_0, %arg1 : i32
    %mul3A_1 = arith.constant 10368 : i32
    %mul3A_2 = arith.muli %add3A, %mul3A_1 : i32
    %iota3A = tpu.iota {dimensions = array<i32: 0>} : vector<16xi32>
    %mul3A_3 = arith.constant 640 : i32
    %mul3A_4 = arith.muli %arg1, %mul3A_3 : i32
    "tpu.region"() ({
      %run_scoped3A = tpu.sem_alloc : memref<!tpu.dma_semaphore, #tpu.memory_space<semaphore_mem>>
      %dma_start3A = arith.constant 0 : i32
      %dma_start3A_15 = tpu.memref_slice %arg16[%mul3A_4, %dma_start3A] : memref<10240x32xf32, #tpu.memory_space<vmem_shared>> -> memref<640x32xf32, #tpu.memory_space<vmem_shared>>
      %dma_start3A_16 = arith.constant 0 : i32
      %dma_start3A_17 = tpu.memref_slice %arg7[%mul3A_4, %dma_start3A_16] : memref<10240x32xf32, #tpu.memory_space<hbm>> -> memref<640x32xf32, #tpu.memory_space<hbm>>
      tpu.enqueue_dma source(%dma_start3A_17 : memref<640x32xf32, #tpu.memory_space<hbm>>) target(%dma_start3A_15 : memref<640x32xf32, #tpu.memory_space<vmem_shared>>) target_semaphore(%run_scoped3A : memref<!tpu.dma_semaphore, #tpu.memory_space<semaphore_mem>>)
      %dma_wait3A = arith.constant 0 : i32
      %dma_wait3A_18 = tpu.memref_slice %arg16[%mul3A_4, %dma_wait3A] : memref<10240x32xf32, #tpu.memory_space<vmem_shared>> -> memref<640x32xf32, #tpu.memory_space<vmem_shared>>
      %dma_wait3A_19 = arith.constant 0 : i32
      %dma_wait3A_20 = tpu.memref_slice %arg7[%mul3A_4, %dma_wait3A_19] : memref<10240x32xf32, #tpu.memory_space<hbm>> -> memref<640x32xf32, #tpu.memory_space<hbm>>
      tpu.wait_dma2 semaphore(%run_scoped3A : memref<!tpu.dma_semaphore, #tpu.memory_space<semaphore_mem>>) src(%dma_wait3A_20 : memref<640x32xf32, #tpu.memory_space<hbm>>) dst(%dma_wait3A_18 : memref<640x32xf32, #tpu.memory_space<vmem_shared>>)
      tpu.yield
    }) : () -> ()
    "tpu.region"() ({
      %run_scoped3A = tpu.sem_alloc : memref<!tpu.dma_semaphore, #tpu.memory_space<semaphore_mem>>
      tpu.enqueue_dma source(%arg4 : memref<10000xf32, #tpu.memory_space<hbm>>) target(%arg9 : memref<10000xf32, #tpu.memory_space<vmem>>) target_semaphore(%run_scoped3A : memref<!tpu.dma_semaphore, #tpu.memory_space<semaphore_mem>>)
      tpu.wait_dma2 semaphore(%run_scoped3A : memref<!tpu.dma_semaphore, #tpu.memory_space<semaphore_mem>>) src(%arg4 : memref<10000xf32, #tpu.memory_space<hbm>>) dst(%arg9 : memref<10000xf32, #tpu.memory_space<vmem>>)
      tpu.yield
    }) : () -> ()
    "tpu.region"() ({
      %run_scoped3A = tpu.sem_alloc : memref<!tpu.dma_semaphore, #tpu.memory_space<semaphore_mem>>
      tpu.enqueue_dma source(%arg5 : memref<10000xf32, #tpu.memory_space<hbm>>) target(%arg10 : memref<10000xf32, #tpu.memory_space<vmem>>) target_semaphore(%run_scoped3A : memref<!tpu.dma_semaphore, #tpu.memory_space<semaphore_mem>>)
      tpu.wait_dma2 semaphore(%run_scoped3A : memref<!tpu.dma_semaphore, #tpu.memory_space<semaphore_mem>>) src(%arg5 : memref<10000xf32, #tpu.memory_space<hbm>>) dst(%arg10 : memref<10000xf32, #tpu.memory_space<vmem>>)
      tpu.yield
    }) : () -> ()
    %barrier3A = arith.constant 0 : index
    tpu.barrier barrier_id(%barrier3A)
    %scan3A = arith.constant 0 : i32
    %scan3A_5 = arith.constant 0 : i32
    %scan3A_6 = arith.constant 81 : i32
    %scan3A_7 = arith.addi %scan3A_5, %scan3A_6 : i32
    %scan3A_8 = arith.constant 1 : i32
    %scan3A_9 = scf.for %scan3A_15 = %scan3A_5 to %scan3A_7 step %scan3A_8 iter_args(%scan3A_16 = %scan3A) -> (i32)  : i32 {
      %mul3A_17 = arith.constant 128 : i32
      %mul3A_18 = arith.muli %scan3A_15, %mul3A_17 : i32
      %add3A_19 = arith.addi %mul3A_2, %mul3A_18 : i32
      "tpu.region"() ({
        %run_scoped3A = tpu.sem_alloc : memref<!tpu.dma_semaphore, #tpu.memory_space<semaphore_mem>>
        %dma_start3A_39 = tpu.memref_slice %arg2[%add3A_19] : memref<331776xi32, #tpu.memory_space<hbm>> -> memref<128xi32, #tpu.memory_space<hbm>>
        %dma_start3A_40 = tpu.memref_slice %arg2[%add3A_19] : memref<331776xi32, #tpu.memory_space<hbm>> -> memref<128xi32, #tpu.memory_space<hbm>>
        tpu.enqueue_dma source(%dma_start3A_40 : memref<128xi32, #tpu.memory_space<hbm>>) target(%arg11 : memref<128xi32, #tpu.memory_space<vmem>>) target_semaphore(%run_scoped3A : memref<!tpu.dma_semaphore, #tpu.memory_space<semaphore_mem>>)
        %dma_wait3A_41 = tpu.memref_slice %arg2[%add3A_19] : memref<331776xi32, #tpu.memory_space<hbm>> -> memref<128xi32, #tpu.memory_space<hbm>>
        %dma_wait3A_42 = tpu.memref_slice %arg2[%add3A_19] : memref<331776xi32, #tpu.memory_space<hbm>> -> memref<128xi32, #tpu.memory_space<hbm>>
        tpu.wait_dma2 semaphore(%run_scoped3A : memref<!tpu.dma_semaphore, #tpu.memory_space<semaphore_mem>>) src(%dma_wait3A_42 : memref<128xi32, #tpu.memory_space<hbm>>) dst(%arg11 : memref<128xi32, #tpu.memory_space<vmem>>)
        tpu.yield
      }) : () -> ()
      "tpu.region"() ({
        %run_scoped3A = tpu.sem_alloc : memref<!tpu.dma_semaphore, #tpu.memory_space<semaphore_mem>>
        %dma_start3A_39 = tpu.memref_slice %arg3[%add3A_19] : memref<331776xi32, #tpu.memory_space<hbm>> -> memref<128xi32, #tpu.memory_space<hbm>>
        %dma_start3A_40 = tpu.memref_slice %arg3[%add3A_19] : memref<331776xi32, #tpu.memory_space<hbm>> -> memref<128xi32, #tpu.memory_space<hbm>>
        tpu.enqueue_dma source(%dma_start3A_40 : memref<128xi32, #tpu.memory_space<hbm>>) target(%arg12 : memref<128xi32, #tpu.memory_space<vmem>>) target_semaphore(%run_scoped3A : memref<!tpu.dma_semaphore, #tpu.memory_space<semaphore_mem>>)
        %dma_wait3A_41 = tpu.memref_slice %arg3[%add3A_19] : memref<331776xi32, #tpu.memory_space<hbm>> -> memref<128xi32, #tpu.memory_space<hbm>>
        %dma_wait3A_42 = tpu.memref_slice %arg3[%add3A_19] : memref<331776xi32, #tpu.memory_space<hbm>> -> memref<128xi32, #tpu.memory_space<hbm>>
        tpu.wait_dma2 semaphore(%run_scoped3A : memref<!tpu.dma_semaphore, #tpu.memory_space<semaphore_mem>>) src(%dma_wait3A_42 : memref<128xi32, #tpu.memory_space<hbm>>) dst(%arg12 : memref<128xi32, #tpu.memory_space<vmem>>)
        tpu.yield
      }) : () -> ()
      %dma_start3A = arith.constant 0 : i32
      %dma_start3A_20 = arith.constant 0 : i32
      %dma_start3A_21 = tpu.memref_slice %arg6[%dma_start3A, %dma_start3A_20] : memref<10000x16xf32, #tpu.memory_space<hbm>> -> memref<10000x16xf32, #tpu.memory_space<hbm>>
      tpu.enqueue_indirect_dma source(%dma_start3A_21 : memref<10000x16xf32, #tpu.memory_space<hbm>>) target(%arg13 : memref<128x16xf32, #tpu.memory_space<vmem>>) offsets(%arg11 : memref<128xi32, #tpu.memory_space<vmem>>) semaphore(%arg17 : memref<!tpu.dma_semaphore, #tpu.memory_space<semaphore_mem>>)
      %scan3A_22 = arith.constant 0 : i32
      %scan3A_23 = arith.constant 0 : i32
      %scan3A_24 = arith.constant 8 : i32
      %scan3A_25 = arith.addi %scan3A_23, %scan3A_24 : i32
      %scan3A_26 = arith.constant 1 : i32
      %scan3A_27 = scf.for %scan3A_39 = %scan3A_23 to %scan3A_25 step %scan3A_26 iter_args(%scan3A_40 = %scan3A_22) -> (i32)  : i32 {
        %mul3A_41 = arith.constant 16 : i32
        %mul3A_42 = arith.muli %scan3A_39, %mul3A_41 : i32
        %get3A = arith.index_cast %mul3A_42 : i32 to index
        %get3A_43 = tpu.vector_load %arg11[%get3A] {strides = array<i32>} : memref<128xi32, #tpu.memory_space<vmem>>, vector<16xi32>,
        %mul3A_44 = arith.constant 16 : i32
        %mul3A_45 = arith.muli %scan3A_39, %mul3A_44 : i32
        %get3A_46 = arith.index_cast %mul3A_45 : i32 to index
        %get3A_47 = tpu.vector_load %arg12[%get3A_46] {strides = array<i32>} : memref<128xi32, #tpu.memory_space<vmem>>, vector<16xi32>,
        %gather3A = tpu.vector_load_idx %arg9[%get3A_43] : memref<10000xf32, #tpu.memory_space<vmem>>[vector<16xi32>], vector<16xf32>,
        %gather3A_48 = tpu.vector_load_idx %arg10[%get3A_47] : memref<10000xf32, #tpu.memory_space<vmem>>[vector<16xi32>], vector<16xf32>,
        %add3A_49 = arith.addf %gather3A, %gather3A_48 : vector<16xf32>
        %ge3A = arith.constant 0.000000e+00 : f32
        %ge3A_50 = vector.broadcast %ge3A : f32 to vector<16xf32>
        %ge3A_51 = arith.cmpf oge, %add3A_49, %ge3A_50 : vector<16xf32>
        %mul3A_52 = arith.constant 2.000000e-01 : f32
        %mul3A_53 = vector.broadcast %mul3A_52 : f32 to vector<16xf32>
        %mul3A_54 = arith.mulf %mul3A_53, %add3A_49 : vector<16xf32>
        %select_n3A = arith.select %ge3A_51, %add3A_49, %mul3A_54 : vector<16xi1>, vector<16xf32>
        %exp3A = math.exp %select_n3A : vector<16xf32>
        %mul3A_55 = arith.constant 16 : i32
        %mul3A_56 = arith.muli %scan3A_39, %mul3A_55 : i32
        %add3A_57 = arith.addi %add3A_19, %mul3A_56 : i32
        %add3A_58 = vector.broadcast %add3A_57 : i32 to vector<16xi32>
        %add3A_59 = arith.addi %add3A_58, %iota3A : vector<16xi32>
        %lt3A = arith.constant 330000 : i32
        %lt3A_60 = vector.broadcast %lt3A : i32 to vector<16xi32>
        %lt3A_61 = arith.cmpi slt, %add3A_59, %lt3A_60 : vector<16xi32>
        %jit3A = arith.constant 0.000000e+00 : f32
        %broadcast_in_dim3A = vector.broadcast %jit3A : f32 to vector<16xf32>
        %select_n3A_62 = arith.select %lt3A_61, %exp3A, %broadcast_in_dim3A : vector<16xi1>, vector<16xf32>
        %mul3A_63 = arith.constant 16 : i32
        %mul3A_64 = arith.muli %scan3A_39, %mul3A_63 : i32
        %swap3A = arith.index_cast %mul3A_64 : i32 to index
        %swap3A_65 = tpu.vector_load %arg15[%swap3A] {strides = array<i32>} : memref<128xf32, #tpu.memory_space<vmem>>, vector<16xf32>,
        tpu.vector_store %arg15[%swap3A], %select_n3A_62 {strides = array<i32>} : memref<128xf32, #tpu.memory_space<vmem>>, vector<16xf32>,
        %scan3A_66 = arith.constant 0 : i32
        scf.yield %scan3A_66 : i32
      }
      %scan3A_28 = arith.constant 8 : i32
      %dma_wait3A = arith.constant 0 : i32
      %dma_wait3A_29 = arith.constant 0 : i32
      %dma_wait3A_30 = tpu.memref_slice %arg6[%dma_wait3A, %dma_wait3A_29] : memref<10000x16xf32, #tpu.memory_space<hbm>> -> memref<10000x16xf32, #tpu.memory_space<hbm>>
      tpu.wait_indirect_dma semaphore(%arg17 : memref<!tpu.dma_semaphore, #tpu.memory_space<semaphore_mem>>) src(%dma_wait3A_30 : memref<10000x16xf32, #tpu.memory_space<hbm>>) dst(%arg13 : memref<128x16xf32, #tpu.memory_space<vmem>>)
      %scan3A_31 = arith.constant 0 : i32
      %scan3A_32 = arith.constant 0 : i32
      %scan3A_33 = arith.constant 128 : i32
      %scan3A_34 = arith.addi %scan3A_32, %scan3A_33 : i32
      %scan3A_35 = arith.constant 1 : i32
      %scan3A_36 = scf.for %scan3A_39 = %scan3A_32 to %scan3A_34 step %scan3A_35 iter_args(%scan3A_40 = %scan3A_31) -> (i32)  : i32 {
        %broadcast_in_dim3A = vector.broadcast %scan3A_39 : i32 to vector<16xi32>
        %gather3A = tpu.vector_load_idx %arg15[%broadcast_in_dim3A] : memref<128xf32, #tpu.memory_space<vmem>>[vector<16xi32>], vector<16xf32>,
        %gather3A_41 = tpu.vector_load_idx %arg13[%broadcast_in_dim3A, %iota3A] : memref<128x16xf32, #tpu.memory_space<vmem>>[vector<16xi32>, vector<16xi32>], vector<16xf32>,
        %mul3A_42 = arith.mulf %gather3A_41, %gather3A : vector<16xf32>
        tpu.vector_store_idx %arg14[%broadcast_in_dim3A, %iota3A], %mul3A_42 : memref<128x32xf32, #tpu.memory_space<vmem>>[vector<16xi32>, vector<16xi32>], vector<16xf32>,
        %eq3A = arith.constant 0 : i32
        %eq3A_43 = vector.broadcast %eq3A : i32 to vector<16xi32>
        %eq3A_44 = arith.cmpi eq, %iota3A, %eq3A_43 : vector<16xi32>
        %jit3A = arith.constant 0.000000e+00 : f32
        %broadcast_in_dim3A_45 = vector.broadcast %jit3A : f32 to vector<16xf32>
        %select_n3A = arith.select %eq3A_44, %gather3A, %broadcast_in_dim3A_45 : vector<16xi1>, vector<16xf32>
        %add3A_46 = arith.constant 16 : i32
        %add3A_47 = vector.broadcast %add3A_46 : i32 to vector<16xi32>
        %add3A_48 = arith.addi %iota3A, %add3A_47 : vector<16xi32>
        tpu.vector_store_idx %arg14[%broadcast_in_dim3A, %add3A_48], %select_n3A : memref<128x32xf32, #tpu.memory_space<vmem>>[vector<16xi32>, vector<16xi32>], vector<16xf32>,
        %scan3A_49 = arith.constant 0 : i32
        scf.yield %scan3A_49 : i32
      }
      %scan3A_37 = arith.constant 128 : i32
      "tpu.region"() ({
        %run_scoped3A = tpu.sem_alloc : memref<!tpu.dma_semaphore, #tpu.memory_space<semaphore_mem>>
        %dma_start3A_39 = arith.constant 0 : i32
        %dma_start3A_40 = arith.constant 0 : i32
        %dma_start3A_41 = tpu.memref_slice %arg16[%dma_start3A_39, %dma_start3A_40] : memref<10240x32xf32, #tpu.memory_space<vmem_shared>> -> memref<10240x32xf32, #tpu.memory_space<vmem_shared>>
        tpu.enqueue_indirect_dma source(%arg14 : memref<128x32xf32, #tpu.memory_space<vmem>>) target(%dma_start3A_41 : memref<10240x32xf32, #tpu.memory_space<vmem_shared>>) offsets(%arg12 : memref<128xi32, #tpu.memory_space<vmem>>) semaphore(%run_scoped3A : memref<!tpu.dma_semaphore, #tpu.memory_space<semaphore_mem>>) {add = true}
        %dma_wait3A_42 = arith.constant 0 : i32
        %dma_wait3A_43 = arith.constant 0 : i32
        %dma_wait3A_44 = tpu.memref_slice %arg16[%dma_wait3A_42, %dma_wait3A_43] : memref<10240x32xf32, #tpu.memory_space<vmem_shared>> -> memref<10240x32xf32, #tpu.memory_space<vmem_shared>>
        tpu.wait_indirect_dma semaphore(%run_scoped3A : memref<!tpu.dma_semaphore, #tpu.memory_space<semaphore_mem>>) src(%arg14 : memref<128x32xf32, #tpu.memory_space<vmem>>) dst(%dma_wait3A_44 : memref<10240x32xf32, #tpu.memory_space<vmem_shared>>)
        tpu.yield
      }) : () -> ()
      %scan3A_38 = arith.constant 0 : i32
      scf.yield %scan3A_38 : i32
    }
    %scan3A_10 = arith.constant 81 : i32
    %barrier3A_11 = arith.constant 0 : index
    tpu.barrier barrier_id(%barrier3A_11)
    %mul3A_12 = arith.constant 10240 : i32
    %mul3A_13 = arith.muli %arg0, %mul3A_12 : i32
    %add3A_14 = arith.addi %mul3A_13, %mul3A_4 : i32
    "tpu.region"() ({
      %run_scoped3A = tpu.sem_alloc : memref<!tpu.dma_semaphore, #tpu.memory_space<semaphore_mem>>
      %dma_start3A = arith.constant 0 : i32
      %dma_start3A_15 = tpu.memref_slice %arg8[%add3A_14, %dma_start3A] : memref<20480x32xf32, #tpu.memory_space<hbm>> -> memref<640x32xf32, #tpu.memory_space<hbm>>
      %dma_start3A_16 = arith.constant 0 : i32
      %dma_start3A_17 = tpu.memref_slice %arg16[%mul3A_4, %dma_start3A_16] : memref<10240x32xf32, #tpu.memory_space<vmem_shared>> -> memref<640x32xf32, #tpu.memory_space<vmem_shared>>
      tpu.enqueue_dma source(%dma_start3A_17 : memref<640x32xf32, #tpu.memory_space<vmem_shared>>) target(%dma_start3A_15 : memref<640x32xf32, #tpu.memory_space<hbm>>) target_semaphore(%run_scoped3A : memref<!tpu.dma_semaphore, #tpu.memory_space<semaphore_mem>>)
      %dma_wait3A = arith.constant 0 : i32
      %dma_wait3A_18 = tpu.memref_slice %arg8[%add3A_14, %dma_wait3A] : memref<20480x32xf32, #tpu.memory_space<hbm>> -> memref<640x32xf32, #tpu.memory_space<hbm>>
      %dma_wait3A_19 = arith.constant 0 : i32
      %dma_wait3A_20 = tpu.memref_slice %arg16[%mul3A_4, %dma_wait3A_19] : memref<10240x32xf32, #tpu.memory_space<vmem_shared>> -> memref<640x32xf32, #tpu.memory_space<vmem_shared>>
      tpu.wait_dma2 semaphore(%run_scoped3A : memref<!tpu.dma_semaphore, #tpu.memory_space<semaphore_mem>>) src(%dma_wait3A_20 : memref<640x32xf32, #tpu.memory_space<vmem_shared>>) dst(%dma_wait3A_18 : memref<640x32xf32, #tpu.memory_space<hbm>>)
      tpu.yield
    }) : () -> ()
    return
  }
}

module attributes {stable_mosaic.version = 14 : i64} {
  func.func @_tc1(%arg0: memref<10000x128xf32, #tpu.memory_space<vmem>>, %arg1: memref<16x128xf32, #tpu.memory_space<vmem>>, %arg2: memref<1x16xf32, #tpu.memory_space<vmem>>, %arg3: memref<1x16xf32, #tpu.memory_space<vmem>>, %arg4: memref<10000x16xf32, #tpu.memory_space<vmem>>, %arg5: memref<10000x1xf32, #tpu.memory_space<vmem>>, %arg6: memref<10000x1xf32, #tpu.memory_space<vmem>>) attributes {dimension_semantics = [], scalar_prefetch = 0 : i64, scratch_operands = 0 : i64, tpu.core_type = #tpu.core_type<tc>} {
    %get3A = arith.constant 0 : index
    %get3A_0 = arith.constant 0 : index
    %get3A_1 = vector.load %arg0[%get3A, %get3A_0] : memref<10000x128xf32, #tpu.memory_space<vmem>>, vector<10000x128xf32>
    %get3A_2 = arith.constant 0 : index
    %get3A_3 = arith.constant 0 : index
    %get3A_4 = vector.load %arg1[%get3A_2, %get3A_3] : memref<16x128xf32, #tpu.memory_space<vmem>>, vector<16x128xf32>
    %dot_general3A = arith.constant dense<0.000000e+00> : vector<10000x16xf32>
    %dot_general3A_5 = tpu.matmul %get3A_1, %get3A_4, %dot_general3A {dimension_numbers = #tpu.dot_dimension_numbers<[1], [1], [0], [0], [0, 0, 1, 0], [], []>, transpose_lhs_hint = false} : vector<10000x128xf32>, vector<16x128xf32>, vector<10000x16xf32> -> vector<10000x16xf32>
    %swap3A = arith.constant 0 : index
    %swap3A_6 = arith.constant 0 : index
    %swap3A_7 = vector.load %arg4[%swap3A, %swap3A_6] : memref<10000x16xf32, #tpu.memory_space<vmem>>, vector<10000x16xf32>
    tpu.vector_store %arg4[%swap3A, %swap3A_6], %dot_general3A_5 {strides = array<i32>} : memref<10000x16xf32, #tpu.memory_space<vmem>>, vector<10000x16xf32>,
    %get3A_8 = arith.constant 0 : index
    %get3A_9 = arith.constant 0 : index
    %get3A_10 = vector.load %arg2[%get3A_8, %get3A_9] : memref<1x16xf32, #tpu.memory_space<vmem>>, vector<1x16xf32>
    %mul3A = vector.broadcast %get3A_10 : vector<1x16xf32> to vector<10000x16xf32>
    %mul3A_11 = arith.mulf %dot_general3A_5, %mul3A : vector<10000x16xf32>
    %reduce_sum3A = arith.constant dense<0.000000e+00> : vector<10000xf32>
    %reduce_sum3A_12 = vector.multi_reduction <add>, %mul3A_11, %reduce_sum3A [1] : vector<10000x16xf32> to vector<10000xf32>
    %broadcast_in_dim3A = vector.shape_cast %reduce_sum3A_12 : vector<10000xf32> to vector<10000x1xf32>
    %swap3A_13 = arith.constant 0 : index
    %swap3A_14 = arith.constant 0 : index
    %swap3A_15 = vector.load %arg5[%swap3A_13, %swap3A_14] : memref<10000x1xf32, #tpu.memory_space<vmem>>, vector<10000x1xf32>
    tpu.vector_store %arg5[%swap3A_13, %swap3A_14], %broadcast_in_dim3A {strides = array<i32>} : memref<10000x1xf32, #tpu.memory_space<vmem>>, vector<10000x1xf32>,
    %get3A_16 = arith.constant 0 : index
    %get3A_17 = arith.constant 0 : index
    %get3A_18 = vector.load %arg3[%get3A_16, %get3A_17] : memref<1x16xf32, #tpu.memory_space<vmem>>, vector<1x16xf32>
    %mul3A_19 = vector.broadcast %get3A_18 : vector<1x16xf32> to vector<10000x16xf32>
    %mul3A_20 = arith.mulf %dot_general3A_5, %mul3A_19 : vector<10000x16xf32>
    %reduce_sum3A_21 = arith.constant dense<0.000000e+00> : vector<10000xf32>
    %reduce_sum3A_22 = vector.multi_reduction <add>, %mul3A_20, %reduce_sum3A_21 [1] : vector<10000x16xf32> to vector<10000xf32>
    %broadcast_in_dim3A_23 = vector.shape_cast %reduce_sum3A_22 : vector<10000xf32> to vector<10000x1xf32>
    %swap3A_24 = arith.constant 0 : index
    %swap3A_25 = arith.constant 0 : index
    %swap3A_26 = vector.load %arg6[%swap3A_24, %swap3A_25] : memref<10000x1xf32, #tpu.memory_space<vmem>>, vector<10000x1xf32>
    tpu.vector_store %arg6[%swap3A_24, %swap3A_25], %broadcast_in_dim3A_23 {strides = array<i32>} : memref<10000x1xf32, #tpu.memory_space<vmem>>, vector<10000x1xf32>,
    return
  }
}

module attributes {stable_mosaic.version = 14 : i64} {
  func.func @_tc2(%arg0: memref<20480x32xf32, #tpu.memory_space<vmem>>, %arg1: memref<1x16xf32, #tpu.memory_space<vmem>>, %arg2: memref<16x16xf32, #tpu.memory_space<vmem>>, %arg3: memref<1x16xf32, #tpu.memory_space<vmem>>, %arg4: memref<1x16xf32, #tpu.memory_space<vmem>>, %arg5: memref<10000x16xf32, #tpu.memory_space<vmem>>, %arg6: memref<10000x1xf32, #tpu.memory_space<vmem>>, %arg7: memref<10000x1xf32, #tpu.memory_space<vmem>>) attributes {dimension_semantics = [], scalar_prefetch = 0 : i64, scratch_operands = 0 : i64, tpu.core_type = #tpu.core_type<tc>} {
    %get3A = arith.constant 0 : index
    %get3A_0 = arith.constant 0 : index
    %get3A_1 = vector.load %arg0[%get3A, %get3A_0] : memref<20480x32xf32, #tpu.memory_space<vmem>>, vector<10000x32xf32>
    %get3A_2 = arith.constant 10240 : index
    %get3A_3 = arith.constant 0 : index
    %get3A_4 = vector.load %arg0[%get3A_2, %get3A_3] : memref<20480x32xf32, #tpu.memory_space<vmem>>, vector<10000x32xf32>
    %add3A = arith.addf %get3A_1, %get3A_4 : vector<10000x32xf32>
    %slice3A = vector.extract_strided_slice %add3A {offsets = [0, 0], sizes = [10000, 16], strides = [1, 1]} : vector<10000x32xf32> to vector<10000x16xf32>
    %slice3A_5 = vector.extract_strided_slice %add3A {offsets = [0, 16], sizes = [10000, 1], strides = [1, 1]} : vector<10000x32xf32> to vector<10000x1xf32>
    %add3A_6 = arith.constant 1.000000e-16 : f32
    %add3A_7 = vector.broadcast %add3A_6 : f32 to vector<10000x1xf32>
    %add3A_8 = arith.addf %slice3A_5, %add3A_7 : vector<10000x1xf32>
    %div3A = vector.broadcast %add3A_8 : vector<10000x1xf32> to vector<10000x16xf32>
    %div3A_9 = arith.divf %slice3A, %div3A : vector<10000x16xf32>
    %get3A_10 = arith.constant 0 : index
    %get3A_11 = arith.constant 0 : index
    %get3A_12 = vector.load %arg1[%get3A_10, %get3A_11] : memref<1x16xf32, #tpu.memory_space<vmem>>, vector<1x16xf32>
    %add3A_13 = vector.broadcast %get3A_12 : vector<1x16xf32> to vector<10000x16xf32>
    %add3A_14 = arith.addf %div3A_9, %add3A_13 : vector<10000x16xf32>
    %ge3A = arith.constant 0.000000e+00 : f32
    %ge3A_15 = vector.broadcast %ge3A : f32 to vector<10000x16xf32>
    %ge3A_16 = arith.cmpf oge, %add3A_14, %ge3A_15 : vector<10000x16xf32>
    %mul3A = arith.constant 0.00999999977 : f32
    %mul3A_17 = vector.broadcast %mul3A : f32 to vector<10000x16xf32>
    %mul3A_18 = arith.mulf %mul3A_17, %add3A_14 : vector<10000x16xf32>
    %select_n3A = arith.select %ge3A_16, %add3A_14, %mul3A_18 : vector<10000x16xi1>, vector<10000x16xf32>
    %get3A_19 = arith.constant 0 : index
    %get3A_20 = arith.constant 0 : index
    %get3A_21 = vector.load %arg2[%get3A_19, %get3A_20] : memref<16x16xf32, #tpu.memory_space<vmem>>, vector<16x16xf32>
    %dot_general3A = arith.constant dense<0.000000e+00> : vector<10000x16xf32>
    %dot_general3A_22 = tpu.matmul %select_n3A, %get3A_21, %dot_general3A {dimension_numbers = #tpu.dot_dimension_numbers<[1], [1], [0], [0], [0, 0, 1, 0], [], []>, transpose_lhs_hint = false} : vector<10000x16xf32>, vector<16x16xf32>, vector<10000x16xf32> -> vector<10000x16xf32>
    %swap3A = arith.constant 0 : index
    %swap3A_23 = arith.constant 0 : index
    %swap3A_24 = vector.load %arg5[%swap3A, %swap3A_23] : memref<10000x16xf32, #tpu.memory_space<vmem>>, vector<10000x16xf32>
    tpu.vector_store %arg5[%swap3A, %swap3A_23], %dot_general3A_22 {strides = array<i32>} : memref<10000x16xf32, #tpu.memory_space<vmem>>, vector<10000x16xf32>,
    %get3A_25 = arith.constant 0 : index
    %get3A_26 = arith.constant 0 : index
    %get3A_27 = vector.load %arg3[%get3A_25, %get3A_26] : memref<1x16xf32, #tpu.memory_space<vmem>>, vector<1x16xf32>
    %mul3A_28 = vector.broadcast %get3A_27 : vector<1x16xf32> to vector<10000x16xf32>
    %mul3A_29 = arith.mulf %dot_general3A_22, %mul3A_28 : vector<10000x16xf32>
    %reduce_sum3A = arith.constant dense<0.000000e+00> : vector<10000xf32>
    %reduce_sum3A_30 = vector.multi_reduction <add>, %mul3A_29, %reduce_sum3A [1] : vector<10000x16xf32> to vector<10000xf32>
    %broadcast_in_dim3A = vector.shape_cast %reduce_sum3A_30 : vector<10000xf32> to vector<10000x1xf32>
    %swap3A_31 = arith.constant 0 : index
    %swap3A_32 = arith.constant 0 : index
    %swap3A_33 = vector.load %arg6[%swap3A_31, %swap3A_32] : memref<10000x1xf32, #tpu.memory_space<vmem>>, vector<10000x1xf32>
    tpu.vector_store %arg6[%swap3A_31, %swap3A_32], %broadcast_in_dim3A {strides = array<i32>} : memref<10000x1xf32, #tpu.memory_space<vmem>>, vector<10000x1xf32>,
    %get3A_34 = arith.constant 0 : index
    %get3A_35 = arith.constant 0 : index
    %get3A_36 = vector.load %arg4[%get3A_34, %get3A_35] : memref<1x16xf32, #tpu.memory_space<vmem>>, vector<1x16xf32>
    %mul3A_37 = vector.broadcast %get3A_36 : vector<1x16xf32> to vector<10000x16xf32>
    %mul3A_38 = arith.mulf %dot_general3A_22, %mul3A_37 : vector<10000x16xf32>
    %reduce_sum3A_39 = arith.constant dense<0.000000e+00> : vector<10000xf32>
    %reduce_sum3A_40 = vector.multi_reduction <add>, %mul3A_38, %reduce_sum3A_39 [1] : vector<10000x16xf32> to vector<10000xf32>
    %broadcast_in_dim3A_41 = vector.shape_cast %reduce_sum3A_40 : vector<10000xf32> to vector<10000x1xf32>
    %swap3A_42 = arith.constant 0 : index
    %swap3A_43 = arith.constant 0 : index
    %swap3A_44 = vector.load %arg7[%swap3A_42, %swap3A_43] : memref<10000x1xf32, #tpu.memory_space<vmem>>, vector<10000x1xf32>
    tpu.vector_store %arg7[%swap3A_42, %swap3A_43], %broadcast_in_dim3A_41 {strides = array<i32>} : memref<10000x1xf32, #tpu.memory_space<vmem>>, vector<10000x1xf32>,
    return
  }
}

module attributes {stable_mosaic.version = 14 : i64} {
  func.func @_tc3(%arg0: memref<20480x32xf32, #tpu.memory_space<vmem>>, %arg1: memref<1x16xf32, #tpu.memory_space<vmem>>, %arg2: memref<10000x1xi32, #tpu.memory_space<vmem>>, %arg3: memref<32x32xf32, #tpu.memory_space<vmem>>, %arg4: memref<1x32xf32, #tpu.memory_space<vmem>>, %arg5: memref<32x32xf32, #tpu.memory_space<vmem>>, %arg6: memref<1x32xf32, #tpu.memory_space<vmem>>, %arg7: memref<1x32xf32, #tpu.memory_space<vmem>>, %arg8: memref<1x1xf32, #tpu.memory_space<vmem>>, %arg9: memref<32x32xf32, #tpu.memory_space<vmem>>, %arg10: memref<1x32xf32, #tpu.memory_space<vmem>>, %arg11: memref<32x32xf32, #tpu.memory_space<vmem>>, %arg12: memref<1x32xf32, #tpu.memory_space<vmem>>, %arg13: memref<1x32xf32, #tpu.memory_space<vmem>>, %arg14: memref<1x1xf32, #tpu.memory_space<vmem>>, %arg15: memref<64x2xf32, #tpu.memory_space<vmem>>) attributes {dimension_semantics = [], scalar_prefetch = 0 : i64, scratch_operands = 0 : i64, tpu.core_type = #tpu.core_type<tc>} {
    %get3A = arith.constant 0 : index
    %get3A_0 = arith.constant 0 : index
    %get3A_1 = vector.load %arg0[%get3A, %get3A_0] : memref<20480x32xf32, #tpu.memory_space<vmem>>, vector<10000x32xf32>
    %get3A_2 = arith.constant 10240 : index
    %get3A_3 = arith.constant 0 : index
    %get3A_4 = vector.load %arg0[%get3A_2, %get3A_3] : memref<20480x32xf32, #tpu.memory_space<vmem>>, vector<10000x32xf32>
    %add3A = arith.addf %get3A_1, %get3A_4 : vector<10000x32xf32>
    %slice3A = vector.extract_strided_slice %add3A {offsets = [0, 0], sizes = [10000, 16], strides = [1, 1]} : vector<10000x32xf32> to vector<10000x16xf32>
    %slice3A_5 = vector.extract_strided_slice %add3A {offsets = [0, 16], sizes = [10000, 1], strides = [1, 1]} : vector<10000x32xf32> to vector<10000x1xf32>
    %add3A_6 = arith.constant 1.000000e-16 : f32
    %add3A_7 = vector.broadcast %add3A_6 : f32 to vector<10000x1xf32>
    %add3A_8 = arith.addf %slice3A_5, %add3A_7 : vector<10000x1xf32>
    %div3A = vector.broadcast %add3A_8 : vector<10000x1xf32> to vector<10000x16xf32>
    %div3A_9 = arith.divf %slice3A, %div3A : vector<10000x16xf32>
    %get3A_10 = arith.constant 0 : index
    %get3A_11 = arith.constant 0 : index
    %get3A_12 = vector.load %arg1[%get3A_10, %get3A_11] : memref<1x16xf32, #tpu.memory_space<vmem>>, vector<1x16xf32>
    %add3A_13 = vector.broadcast %get3A_12 : vector<1x16xf32> to vector<10000x16xf32>
    %add3A_14 = arith.addf %div3A_9, %add3A_13 : vector<10000x16xf32>
    %ge3A = arith.constant 0.000000e+00 : f32
    %ge3A_15 = vector.broadcast %ge3A : f32 to vector<10000x16xf32>
    %ge3A_16 = arith.cmpf oge, %add3A_14, %ge3A_15 : vector<10000x16xf32>
    %mul3A = arith.constant 0.00999999977 : f32
    %mul3A_17 = vector.broadcast %mul3A : f32 to vector<10000x16xf32>
    %mul3A_18 = arith.mulf %mul3A_17, %add3A_14 : vector<10000x16xf32>
    %select_n3A = arith.select %ge3A_16, %add3A_14, %mul3A_18 : vector<10000x16xi1>, vector<10000x16xf32>
    %iota3A = tpu.iota {dimensions = array<i32: 1>} : vector<10000x64xi32>
    %get3A_19 = arith.constant 0 : index
    %get3A_20 = arith.constant 0 : index
    %get3A_21 = vector.load %arg2[%get3A_19, %get3A_20] : memref<10000x1xi32, #tpu.memory_space<vmem>>, vector<10000x1xi32>
    %eq3A = vector.broadcast %get3A_21 : vector<10000x1xi32> to vector<10000x64xi32>
    %eq3A_22 = arith.cmpi eq, %eq3A, %iota3A : vector<10000x64xi32>
    %convert_element_type3A = arith.extui %eq3A_22 : vector<10000x64xi1> to vector<10000x64xi32>
    %convert_element_type3A_23 = arith.sitofp %convert_element_type3A : vector<10000x64xi32> to vector<10000x64xf32>
    %dot_general3A = arith.constant dense<0.000000e+00> : vector<64x16xf32>
    %dot_general3A_24 = tpu.matmul %convert_element_type3A_23, %select_n3A, %dot_general3A {dimension_numbers = #tpu.dot_dimension_numbers<[0], [0], [1], [1], [0, 1, 1, 1], [], []>, transpose_lhs_hint = false} : vector<10000x64xf32>, vector<10000x16xf32>, vector<64x16xf32> -> vector<64x16xf32>
    %reduce_sum3A = arith.constant dense<0.000000e+00> : vector<64xf32>
    %reduce_sum3A_25 = vector.multi_reduction <add>, %convert_element_type3A_23, %reduce_sum3A [0] : vector<10000x64xf32> to vector<64xf32>
    %broadcast_in_dim3A = vector.shape_cast %reduce_sum3A_25 : vector<64xf32> to vector<1x64xf32>
    %max3A = arith.constant 1.000000e+00 : f32
    %max3A_26 = vector.broadcast %max3A : f32 to vector<1x64xf32>
    %max3A_27 = arith.maximumf %broadcast_in_dim3A, %max3A_26 : vector<1x64xf32>
    %transpose3A = tpu.transpose %max3A_27, [1, 0] : vector<1x64xf32> -> vector<64x1xf32>
    %div3A_28 = vector.broadcast %transpose3A : vector<64x1xf32> to vector<64x16xf32>
    %div3A_29 = arith.divf %dot_general3A_24, %div3A_28 : vector<64x16xf32>
    %iota3A_30 = tpu.iota {dimensions = array<i32: 0>} : vector<64x1xi32>
    %broadcast_in_dim3A_31 = arith.constant 0xFF800000 : f32
    %broadcast_in_dim3A_32 = vector.broadcast %broadcast_in_dim3A_31 : f32 to vector<64x16xf32>
    %scan3A = arith.constant 0xFF800000 : f32
    %scan3A_33 = arith.constant 0 : i32
    %scan3A_34 = arith.constant 64 : i32
    %scan3A_35 = arith.addi %scan3A_33, %scan3A_34 : i32
    %scan3A_36 = arith.constant 1 : i32
    %scan3A_37 = scf.for %scan3A_138 = %scan3A_33 to %scan3A_35 step %scan3A_36 iter_args(%scan3A_139 = %broadcast_in_dim3A_32) -> (vector<64x16xf32>)  : i32 {
      %get3A_140 = arith.constant 0 : index
      %get3A_141 = arith.constant 0 : index
      %get3A_142 = vector.load %arg2[%get3A_140, %get3A_141] : memref<10000x1xi32, #tpu.memory_space<vmem>>, vector<10000x1xi32>
      %eq3A_143 = vector.broadcast %scan3A_138 : i32 to vector<10000x1xi32>
      %eq3A_144 = arith.cmpi eq, %get3A_142, %eq3A_143 : vector<10000x1xi32>
      %broadcast_in_dim3A_145 = vector.shape_cast %eq3A_144 : vector<10000x1xi1> to vector<10000x1xi1>
      %broadcast_in_dim3A_146 = vector.broadcast %broadcast_in_dim3A_145 : vector<10000x1xi1> to vector<10000x16xi1>
      %broadcast_in_dim3A_147 = vector.broadcast %scan3A : f32 to vector<10000x16xf32>
      %select_n3A_148 = arith.select %broadcast_in_dim3A_146, %select_n3A, %broadcast_in_dim3A_147 : vector<10000x16xi1>, vector<10000x16xf32>
      %reduce_max3A = arith.constant dense<0xFF800000> : vector<16xf32>
      %reduce_max3A_149 = vector.multi_reduction <maximumf>, %select_n3A_148, %reduce_max3A [0] : vector<10000x16xf32> to vector<16xf32>
      %broadcast_in_dim3A_150 = vector.shape_cast %reduce_max3A_149 : vector<16xf32> to vector<1x16xf32>
      %eq3A_151 = vector.broadcast %scan3A_138 : i32 to vector<64x1xi32>
      %eq3A_152 = arith.cmpi eq, %iota3A_30, %eq3A_151 : vector<64x1xi32>
      %broadcast_in_dim3A_153 = vector.shape_cast %broadcast_in_dim3A_150 : vector<1x16xf32> to vector<1x16xf32>
      %broadcast_in_dim3A_154 = vector.broadcast %broadcast_in_dim3A_153 : vector<1x16xf32> to vector<64x16xf32>
      %broadcast_in_dim3A_155 = vector.shape_cast %eq3A_152 : vector<64x1xi1> to vector<64x1xi1>
      %broadcast_in_dim3A_156 = vector.broadcast %broadcast_in_dim3A_155 : vector<64x1xi1> to vector<64x16xi1>
      %select_n3A_157 = arith.select %broadcast_in_dim3A_156, %broadcast_in_dim3A_154, %scan3A_139 : vector<64x16xi1>, vector<64x16xf32>
      scf.yield %select_n3A_157 : vector<64x16xf32>
    }
    %scan3A_38 = arith.constant 64 : i32
    %concatenate3A = tpu.concatenate %div3A_29, %scan3A_37 in 1 : vector<64x16xf32>, vector<64x16xf32> -> vector<64x32xf32>
    %get3A_39 = arith.constant 0 : index
    %get3A_40 = arith.constant 0 : index
    %get3A_41 = vector.load %arg3[%get3A_39, %get3A_40] : memref<32x32xf32, #tpu.memory_space<vmem>>, vector<32x32xf32>
    %dot_general3A_42 = arith.constant dense<0.000000e+00> : vector<64x32xf32>
    %dot_general3A_43 = tpu.matmul %concatenate3A, %get3A_41, %dot_general3A_42 {dimension_numbers = #tpu.dot_dimension_numbers<[1], [1], [0], [0], [0, 0, 1, 0], [], []>, transpose_lhs_hint = false} : vector<64x32xf32>, vector<32x32xf32>, vector<64x32xf32> -> vector<64x32xf32>
    %get3A_44 = arith.constant 0 : index
    %get3A_45 = arith.constant 0 : index
    %get3A_46 = vector.load %arg4[%get3A_44, %get3A_45] : memref<1x32xf32, #tpu.memory_space<vmem>>, vector<1x32xf32>
    %add3A_47 = vector.broadcast %get3A_46 : vector<1x32xf32> to vector<64x32xf32>
    %add3A_48 = arith.addf %dot_general3A_43, %add3A_47 : vector<64x32xf32>
    %ge3A_49 = arith.constant 0.000000e+00 : f32
    %ge3A_50 = vector.broadcast %ge3A_49 : f32 to vector<64x32xf32>
    %ge3A_51 = arith.cmpf oge, %add3A_48, %ge3A_50 : vector<64x32xf32>
    %mul3A_52 = arith.constant 0.00999999977 : f32
    %mul3A_53 = vector.broadcast %mul3A_52 : f32 to vector<64x32xf32>
    %mul3A_54 = arith.mulf %mul3A_53, %add3A_48 : vector<64x32xf32>
    %select_n3A_55 = arith.select %ge3A_51, %add3A_48, %mul3A_54 : vector<64x32xi1>, vector<64x32xf32>
    %get3A_56 = arith.constant 0 : index
    %get3A_57 = arith.constant 0 : index
    %get3A_58 = vector.load %arg5[%get3A_56, %get3A_57] : memref<32x32xf32, #tpu.memory_space<vmem>>, vector<32x32xf32>
    %dot_general3A_59 = arith.constant dense<0.000000e+00> : vector<64x32xf32>
    %dot_general3A_60 = tpu.matmul %select_n3A_55, %get3A_58, %dot_general3A_59 {dimension_numbers = #tpu.dot_dimension_numbers<[1], [1], [0], [0], [0, 0, 1, 0], [], []>, transpose_lhs_hint = false} : vector<64x32xf32>, vector<32x32xf32>, vector<64x32xf32> -> vector<64x32xf32>
    %get3A_61 = arith.constant 0 : index
    %get3A_62 = arith.constant 0 : index
    %get3A_63 = vector.load %arg6[%get3A_61, %get3A_62] : memref<1x32xf32, #tpu.memory_space<vmem>>, vector<1x32xf32>
    %add3A_64 = vector.broadcast %get3A_63 : vector<1x32xf32> to vector<64x32xf32>
    %add3A_65 = arith.addf %dot_general3A_60, %add3A_64 : vector<64x32xf32>
    %ge3A_66 = arith.constant 0.000000e+00 : f32
    %ge3A_67 = vector.broadcast %ge3A_66 : f32 to vector<64x32xf32>
    %ge3A_68 = arith.cmpf oge, %add3A_65, %ge3A_67 : vector<64x32xf32>
    %mul3A_69 = arith.constant 0.00999999977 : f32
    %mul3A_70 = vector.broadcast %mul3A_69 : f32 to vector<64x32xf32>
    %mul3A_71 = arith.mulf %mul3A_70, %add3A_65 : vector<64x32xf32>
    %select_n3A_72 = arith.select %ge3A_68, %add3A_65, %mul3A_71 : vector<64x32xi1>, vector<64x32xf32>
    %get3A_73 = arith.constant 0 : index
    %get3A_74 = arith.constant 0 : index
    %get3A_75 = vector.load %arg7[%get3A_73, %get3A_74] : memref<1x32xf32, #tpu.memory_space<vmem>>, vector<1x32xf32>
    %mul3A_76 = vector.broadcast %get3A_75 : vector<1x32xf32> to vector<64x32xf32>
    %mul3A_77 = arith.mulf %select_n3A_72, %mul3A_76 : vector<64x32xf32>
    %reduce_sum3A_78 = arith.constant dense<0.000000e+00> : vector<64xf32>
    %reduce_sum3A_79 = vector.multi_reduction <add>, %mul3A_77, %reduce_sum3A_78 [1] : vector<64x32xf32> to vector<64xf32>
    %broadcast_in_dim3A_80 = vector.shape_cast %reduce_sum3A_79 : vector<64xf32> to vector<64x1xf32>
    %get3A_81 = arith.constant 0 : index
    %get3A_82 = arith.constant 0 : index
    %get3A_83 = vector.load %arg8[%get3A_81, %get3A_82] : memref<1x1xf32, #tpu.memory_space<vmem>>, vector<1x1xf32>
    %get3A_84 = vector.extract %get3A_83[0, 0] : f32 from vector<1x1xf32>
    %add3A_85 = vector.broadcast %get3A_84 : f32 to vector<64x1xf32>
    %add3A_86 = arith.addf %broadcast_in_dim3A_80, %add3A_85 : vector<64x1xf32>
    %get3A_87 = arith.constant 0 : index
    %get3A_88 = arith.constant 0 : index
    %get3A_89 = vector.load %arg9[%get3A_87, %get3A_88] : memref<32x32xf32, #tpu.memory_space<vmem>>, vector<32x32xf32>
    %dot_general3A_90 = arith.constant dense<0.000000e+00> : vector<64x32xf32>
    %dot_general3A_91 = tpu.matmul %concatenate3A, %get3A_89, %dot_general3A_90 {dimension_numbers = #tpu.dot_dimension_numbers<[1], [1], [0], [0], [0, 0, 1, 0], [], []>, transpose_lhs_hint = false} : vector<64x32xf32>, vector<32x32xf32>, vector<64x32xf32> -> vector<64x32xf32>
    %get3A_92 = arith.constant 0 : index
    %get3A_93 = arith.constant 0 : index
    %get3A_94 = vector.load %arg10[%get3A_92, %get3A_93] : memref<1x32xf32, #tpu.memory_space<vmem>>, vector<1x32xf32>
    %add3A_95 = vector.broadcast %get3A_94 : vector<1x32xf32> to vector<64x32xf32>
    %add3A_96 = arith.addf %dot_general3A_91, %add3A_95 : vector<64x32xf32>
    %ge3A_97 = arith.constant 0.000000e+00 : f32
    %ge3A_98 = vector.broadcast %ge3A_97 : f32 to vector<64x32xf32>
    %ge3A_99 = arith.cmpf oge, %add3A_96, %ge3A_98 : vector<64x32xf32>
    %mul3A_100 = arith.constant 0.00999999977 : f32
    %mul3A_101 = vector.broadcast %mul3A_100 : f32 to vector<64x32xf32>
    %mul3A_102 = arith.mulf %mul3A_101, %add3A_96 : vector<64x32xf32>
    %select_n3A_103 = arith.select %ge3A_99, %add3A_96, %mul3A_102 : vector<64x32xi1>, vector<64x32xf32>
    %get3A_104 = arith.constant 0 : index
    %get3A_105 = arith.constant 0 : index
    %get3A_106 = vector.load %arg11[%get3A_104, %get3A_105] : memref<32x32xf32, #tpu.memory_space<vmem>>, vector<32x32xf32>
    %dot_general3A_107 = arith.constant dense<0.000000e+00> : vector<64x32xf32>
    %dot_general3A_108 = tpu.matmul %select_n3A_103, %get3A_106, %dot_general3A_107 {dimension_numbers = #tpu.dot_dimension_numbers<[1], [1], [0], [0], [0, 0, 1, 0], [], []>, transpose_lhs_hint = false} : vector<64x32xf32>, vector<32x32xf32>, vector<64x32xf32> -> vector<64x32xf32>
    %get3A_109 = arith.constant 0 : index
    %get3A_110 = arith.constant 0 : index
    %get3A_111 = vector.load %arg12[%get3A_109, %get3A_110] : memref<1x32xf32, #tpu.memory_space<vmem>>, vector<1x32xf32>
    %add3A_112 = vector.broadcast %get3A_111 : vector<1x32xf32> to vector<64x32xf32>
    %add3A_113 = arith.addf %dot_general3A_108, %add3A_112 : vector<64x32xf32>
    %ge3A_114 = arith.constant 0.000000e+00 : f32
    %ge3A_115 = vector.broadcast %ge3A_114 : f32 to vector<64x32xf32>
    %ge3A_116 = arith.cmpf oge, %add3A_113, %ge3A_115 : vector<64x32xf32>
    %mul3A_117 = arith.constant 0.00999999977 : f32
    %mul3A_118 = vector.broadcast %mul3A_117 : f32 to vector<64x32xf32>
    %mul3A_119 = arith.mulf %mul3A_118, %add3A_113 : vector<64x32xf32>
    %select_n3A_120 = arith.select %ge3A_116, %add3A_113, %mul3A_119 : vector<64x32xi1>, vector<64x32xf32>
    %get3A_121 = arith.constant 0 : index
    %get3A_122 = arith.constant 0 : index
    %get3A_123 = vector.load %arg13[%get3A_121, %get3A_122] : memref<1x32xf32, #tpu.memory_space<vmem>>, vector<1x32xf32>
    %mul3A_124 = vector.broadcast %get3A_123 : vector<1x32xf32> to vector<64x32xf32>
    %mul3A_125 = arith.mulf %select_n3A_120, %mul3A_124 : vector<64x32xf32>
    %reduce_sum3A_126 = arith.constant dense<0.000000e+00> : vector<64xf32>
    %reduce_sum3A_127 = vector.multi_reduction <add>, %mul3A_125, %reduce_sum3A_126 [1] : vector<64x32xf32> to vector<64xf32>
    %broadcast_in_dim3A_128 = vector.shape_cast %reduce_sum3A_127 : vector<64xf32> to vector<64x1xf32>
    %get3A_129 = arith.constant 0 : index
    %get3A_130 = arith.constant 0 : index
    %get3A_131 = vector.load %arg14[%get3A_129, %get3A_130] : memref<1x1xf32, #tpu.memory_space<vmem>>, vector<1x1xf32>
    %get3A_132 = vector.extract %get3A_131[0, 0] : f32 from vector<1x1xf32>
    %add3A_133 = vector.broadcast %get3A_132 : f32 to vector<64x1xf32>
    %add3A_134 = arith.addf %broadcast_in_dim3A_128, %add3A_133 : vector<64x1xf32>
    %concatenate3A_135 = tpu.concatenate %add3A_86, %add3A_134 in 1 : vector<64x1xf32>, vector<64x1xf32> -> vector<64x2xf32>
    %swap3A = arith.constant 0 : index
    %swap3A_136 = arith.constant 0 : index
    %swap3A_137 = vector.load %arg15[%swap3A, %swap3A_136] : memref<64x2xf32, #tpu.memory_space<vmem>>, vector<64x2xf32>
    tpu.vector_store %arg15[%swap3A, %swap3A_136], %concatenate3A_135 {strides = array<i32>} : memref<64x2xf32, #tpu.memory_space<vmem>>, vector<64x2xf32>,
    return
  }
}

</mosaic_0001>

<sc_bundles>
// kernel: kernel.10.cloned.1.call-start
scs
__scs_entry_jumppad:
0x0: {  	(pc) =	sbr.rel $0x88, $3  }
0x1: {  	(tag) =	ssettag $0x0;
	lr =	simm.s32 $0x1  }
0x2: {  	[smem:$0x3F8A] =	sst lr;
	_ =	strace $0xD0000000  }
0x3: {  	_ = 	snop  }
0x4: {  	_ = 	snop  }
0x5: {  	_ = 	snop  }
0x6: {  	_ = 	snop  }
0x7: {  	_ = 	snop  }
__scs_overlays_trampoline_lowered:
0x8: {  	[smem:$0x3F99] =	sst s0  }
0x9: {  	[smem:$0x3F9A] =	sst s1  }
0xa: {  	[smem:$0x3F9B] =	sst s2  }
0xb: {  	[smem:$0x3F9C] =	sst s3  }
0xc: {  	[smem:$0x3F9D] =	sst s4  }
0xd: {  	[smem:$0x3F9E] =	sst s5  }
0xe: {  	[smem:$0x3F9F] =	sst s6  }
0xf: {  	[smem:$0x3FA0] =	sst s7  }
0x10: {  	[smem:$0x3FA1] =	sst s8  }
0x11: {  	[smem:$0x3FA2] =	sst s9;
	s0 =	simm.s32 @!p0 $0x0  }
0x12: {  	s1 =	sld [smem:$0x3F88];
	s0 =	simm.s32 @p0 $0x1  }
0x13: {  	[smem:$0x3FA3] =	sst s0;
	s0 =	simm.s32 @!p1 $0x0  }
0x14: {  	s2 =	sld [smem:$0x3F87];
	s0 =	simm.s32 @p1 $0x1  }
0x15: {  	[smem:$0x3FA4] =	sst s0;
	s0 =	simm.s32 @!p2 $0x0  }
0x16: {  	s3 =	sld [smem:$0x3FDB];
	s0 =	simm.s32 @p2 $0x1  }
0x17: {  	s4 =	simm.s32 $0x1BF5;
	[smem:$0x3FA6] =	sst s0  }
0x18: {  	s0 =	sld [smem:$0x3F89];
	_ =	swait.ge [sflag:s4], $0x0  }
0x19: {  	s7 =	sld [smem:$0x3F8A]  }
0x1a: {  	s8 =	sadd.s32 $0xFFFFE003, lr  }
0x1b: {  	s9 =	sadd.s32 $0xFFFFFEF7, lr;
	s5 =	simm.s32 $0xFFFFFFFF;
	p2 =	slt.u32 s8, $0xFFFFF086  }
0x1c: {  	p1 =	slt.u32 s9, $0xF7A;
	s5 =	simm.s32 @!p2 $0x0  }
0x1d: {  	s5 =	simm.s32 @p1 $0x1;
	p0 =	seq.s32 s7, s2  }
0x1e: {  	s7 =	smul.u32 @!p0 $0xF7A, s2;
	p2 =	seq.s32 @!p0 s5, $0x0  }
0x1f: {  	s9 =	smul.u32 $0xF7A, s1;
	s8 =	simm.s32 @!p0 $0x1BF5;
	p2 =	por !p2, p0  }
0x20: {  	[sflag:s8] =	ssyncset.s32 @!p0 $0xFFFFF086;
	s6 =	sadd.s32 @!p0 s3, s7;
	s7 =	simm.s32 @!p0 $0x108  }
0x21: {  	s3 =	sadd.s32 s3, s9;
	s6 =	sadd.s32 @!p0 $0x88, s6;
	s7 =	simm.s32 @p2 $0x1082  }
0x22: {  	[simem:s7], [sflag:s8] =	dma.local @!p0 [hbm:s6], $0xF7A  }
0x23: {  	s9 =	sor.u32 $0xD0000000, s2;
	s6 =	simm.s32 $0x108;
	_ =	swait.ge @!p0 [sflag:s8], $0x0  }
0x24: {  	s3 =	sadd.s32 $0x88, s3;
	s6 =	simm.s32 @!p1 $0x1082;
	[sflag:s4] =	ssyncset.s32 $0xFFFFF086  }
0x25: {  	[simem:s6], [sflag:s4] =	dma.local [hbm:s3], $0xF7A  }
0x26: {  	[smem:$0x3F8A] =	sst s1;
	(tag) =	ssettag s2;
	_ =	strace s9  }
0x27: {  	s1 =	sld [smem:$0x3F9A]  }
0x28: {  	s2 =	sld [smem:$0x3F9B]  }
0x29: {  	s4 =	sld [smem:$0x3F9D]  }
0x2a: {  	p0 =	seq.s32 s5, $0x0;
	s5 =	sld [smem:$0x3F9E]  }
0x2b: {  	s6 =	sld [smem:$0x3F9F]  }
0x2c: {  	s7 =	sld [smem:$0x3FA0]  }
0x2d: {  	s3 =	simm.s32 $0x108;
	s8 =	sld [smem:$0x3FA1]  }
0x2e: {  	s3 =	simm.s32 @!p0 $0x1082;
	s9 =	sld [smem:$0x3FA2]  }
0x2f: {  	lr =	sadd.s32 s0, s3;
	s0 =	sld [smem:$0x3F99]  }
0x30: {  	s3 =	sld [smem:$0x3F9C]  }
0x31: {  	[smem:$0x3FA5] =	sst s10  }
0x32: {  	s10 =	sld [smem:$0x3FA3];
	_ =	sdelay $0x3  }
0x33: {  	p0 =	seq.s32 s10, $0x1;
	s10 =	sld [smem:$0x3FA5];
	_ =	sdelay $0x3  }
0x34: {  	[smem:$0x3FA5] =	sst s10  }
0x35: {  	s10 =	sld [smem:$0x3FA4];
	_ =	sdelay $0x3  }
0x36: {  	p1 =	seq.s32 s10, $0x1;
	s10 =	sld [smem:$0x3FA5];
	_ =	sdelay $0x3  }
0x37: {  	[smem:$0x3FA5] =	sst s10  }
0x38: {  	s10 =	sld [smem:$0x3FA6]  }
0x39: {  	_ = 	snop;
	(pc) =	sbr.ind lr, $3  }
0x3a: {  	_ = 	snop  }
0x3b: {  	_ = 	snop  }
0x3c: {  	p2 =	seq.s32 s10, $0x1;
	s10 =	sld [smem:$0x3FA5]  }
0x3d: {  	_ =	shalt  }
0x3e: {  	_ =	shalt  }
0x3f: {  	_ =	shalt  }
0x40: {  	_ =	shalt  }
0x41: {  	_ =	shalt  }
0x42: {  	_ =	shalt  }
0x43: {  	_ =	shalt  }
0x44: {  	_ =	shalt  }
0x45: {  	_ =	shalt  }
0x46: {  	_ =	shalt  }
0x47: {  	_ =	shalt  }
0x48: {  	_ =	shalt  }
0x49: {  	_ =	shalt  }
0x4a: {  	_ =	shalt  }
0x4b: {  	_ =	shalt  }
0x4c: {  	_ =	shalt  }
0x4d: {  	_ =	shalt  }
0x4e: {  	_ =	shalt  }
0x4f: {  	_ =	shalt  }
0x50: {  	_ =	shalt  }
0x51: {  	_ =	shalt  }
0x52: {  	_ =	shalt  }
0x53: {  	_ =	shalt  }
0x54: {  	_ =	shalt  }
0x55: {  	_ =	shalt  }
0x56: {  	_ =	shalt  }
0x57: {  	_ =	shalt  }
0x58: {  	_ =	shalt  }
0x59: {  	_ =	shalt  }
0x5a: {  	_ =	shalt  }
0x5b: {  	_ =	shalt  }
0x5c: {  	_ =	shalt  }
0x5d: {  	_ =	shalt  }
0x5e: {  	_ =	shalt  }
0x5f: {  	_ =	shalt  }
0x60: {  	_ =	shalt  }
0x61: {  	_ =	shalt  }
0x62: {  	_ =	shalt  }
0x63: {  	_ =	shalt  }
0x64: {  	_ =	shalt  }
0x65: {  	_ =	shalt  }
0x66: {  	_ =	shalt  }
0x67: {  	_ =	shalt  }
0x68: {  	_ =	shalt  }
0x69: {  	_ =	shalt  }
0x6a: {  	_ =	shalt  }
0x6b: {  	_ =	shalt  }
0x6c: {  	_ =	shalt  }
0x6d: {  	_ =	shalt  }
0x6e: {  	_ =	shalt  }
0x6f: {  	_ =	shalt  }
0x70: {  	_ =	shalt  }
0x71: {  	_ =	shalt  }
0x72: {  	_ =	shalt  }
0x73: {  	_ =	shalt  }
0x74: {  	_ =	shalt  }
0x75: {  	_ =	shalt  }
0x76: {  	_ =	shalt  }
0x77: {  	_ =	shalt  }
0x78: {  	_ =	shalt  }
0x79: {  	_ =	shalt  }
0x7a: {  	_ =	shalt  }
0x7b: {  	_ =	shalt  }
0x7c: {  	_ =	shalt  }
0x7d: {  	_ =	shalt  }
0x7e: {  	_ =	shalt  }
0x7f: {  	_ =	shalt  }
0x80: {  	_ =	shalt  }
0x81: {  	_ =	shalt  }
0x82: {  	_ =	shalt  }
0x83: {  	_ =	shalt  }
0x84: {  	_ =	shalt  }
0x85: {  	_ =	shalt  }
0x86: {  	_ =	shalt  }
0x87: {  	_ =	shalt  }
.Lfunc_end0:
.L_simem_size_0:
called_computation.1_lowered:
.L_overlay_start_0:
0x88: {  	s2 =	sld [smem:$0x3FD9]  }
0x89: {  	s3 =	sld [smem:$0x3FFE];
	_ =	sdelay $0x1  }
0x8a: {  	s1 =	srdreg.scid  }
0x8b: {  	s0 =	sand.u32 $0x1, s1  }
0x8c: {  	s16 =	sshll.u32 s0, $0xA;
	s2 =	sadd.s32 s3, s2  }
0x8d: {  	s2 =	sadd.s32 s2, s16  }
0x8e: {  	[smem:$0x3FB1] =	sst s2  }
0x8f: {  	_ = 	snop  }
0x90: {  	(tm) =	ssettm $0x1  }
0x91: {  	s17 =	sld [smem:$0x3FFB];
	_ =	sdelay $0x3  }
0x92: {  	_ =	strace s17  }
0x93: {  	s2 =	sld [smem:$0x3FFC];
	_ =	sdelay $0x3  }
0x94: {  	_ =	strace s2  }
0x95: {  	s2 =	sld [smem:$0x3FFD];
	_ =	sdelay $0x3  }
0x96: {  	_ =	strace s2  }
0x97: {  	_ =	strace $0x8FFFFFFF  }
0x98: {  	s18 =	sld [smem:$0x3FDB];
	_ =	sdelay $0x1  }
0x99: {  	s19 =	simm.s32 $_scs_section_size  }
0x9a: {  	s4 =	simm.s32 $_size__tile_overlayer_lowered;
	s5 =	simm.s32 $_tile_overlayer_lowered  }
0x9b: {  	s22 =	simm.s32 $0x1BFF;
	s21 =	sshll.u32 s5, $0x1;
	s2 =	sadd.s32 s19, s18  }
0x9c: {  	s6 =	simm.s32 $0x0;
	s20 =	sshll.u32 s4, $0x1;
	s4 =	sadd.s32 s21, s2  }
0x9d: {  	[timem:s6], [sflag:s22] =	dma.local [hbm:s4], s20  }
0x9e: {  	_ =	swait.ge [sflag:s22], s20  }
0x9f: {  	s3 =	ssub.s32 $0x0, s20;
	[sflag:s22] =	ssyncset.done $0x0  }
0xa0: {  	[sflag:s22] =	ssyncadd.s32 s3;
	_ =	sdelay $0x1  }
0xa1: {  	s23 =	simm.s32 $0x1B8B  }
0xa2: {  	_ =	swait.ge [sflag:s23], $0x1  }
0xa3: {  	[sflag:s23] =	ssyncset.done $0x0  }
0xa4: {  	s25 =	simm.s32 $0x1B8E;
	s24 =	sld [smem:$0x3FFE];
	[sflag:s23] =	ssyncadd.s32 $0xFFFFFFFF  }
0xa5: {  	s26 =	simm.s32 $execute0_lowered;
	[smem:$0x3FD2] =	sst s25  }
0xa6: {  	s4 =	sshll.u32 s26, $0x1;
	_ =	strace $0x80000049;
	[dreg:$0x1] =	wrdreg $0xFFFFFFFF  }
0xa7: {  	s28 =	simm.s32 $_size_execute0_lowered;
	s2 =	sadd.s32 s2, s4;
	[dreg:$0x0] =	wrdreg $0x0  }
0xa8: {  	s4 =	sshll.u32 s28, $0x1;
	[dreg:$0x2] =	wrdreg s2  }
0xa9: {  	[dreg:$0x3] =	wrdreg s4  }
0xaa: {  	[dreg:$0x4] =	wrdreg $0xC0  }
0xab: {  	_ =	task [dreg:s6], $0x5FFFF  }
0xac: {  	[dreg:$0x1] =	wrdreg $0xFFFFFFFF  }
0xad: {  	[dreg:$0x0] =	wrdreg $0x60  }
0xae: {  	[dreg:$0x2] =	wrdreg s24  }
0xaf: {  	[dreg:$0x3] =	wrdreg $0x67A00  }
0xb0: {  	[dreg:$0x4] =	wrdreg $0x9  }
0xb1: {  	_ =	task.clear_ibuf [dreg:s6], $0x5FFFF;
	_ =	strace $0x90000049  }
0xb2: {  	s29 =	simm.s32 $0x9;
	_ =	strace $0x8000004B  }
0xb3: {  	_ =	swait.ge [sflag:s29], $0x1  }
0xb4: {  	[sflag:s29] =	ssyncadd.s32 $0xFFFFFFFF  }
0xb5: {  	_ =	strace $0x9000004B  }
0xb6: {  	_ =	sfence  }
0xb7: {  	s30 =	sld [smem:$0x0];
	_ =	sdelay $0x2  }
0xb8: {  	s31 =	sshll.u32 s1, $0xD;
	s1 =	sshrl.u32 s1, $0x2  }
0xb9: {  	s3 =	sand.u32 $0x4000, s31;
	s1 =	sadd.s32 s1, s30  }
0xba: {  	s0 =	sor.u32 s3, s0;
	s1 =	sshll.u32 s1, $0x11  }
0xbb: {  	s0 =	sor.u32 s1, s0  }
0xbc: {  	s0 =	sadd.s32 $0x8F2B, s0  }
0xbd: {  	[sflag:s0] =	ssyncadd.remote.s32 $0x1  }
0xbe: {  	_ =	sfence.sel $0xFFFF  }
0xbf: {  	[dreg:$0x0] =	wrdreg $0xFFFFFFFF;
	(pc) =	sbr.abs _section_cstart, $3  }
0xc0: {  	[dreg:$0x1] =	wrdreg $0xFFFFFFFF  }
0xc1: {  	_ =	task.clear_ibuf [dreg:s6], $0x2FFFF;
	_ =	strace $0x9FFFFFFF  }
0xc2: {  	(tm) =	ssettm $0x7FFFFFFF  }
0xc3: {  	_ =	shalt  }
tec
execute0_lowered:
.L_overlay_start_1:
0x0: {  	(tag) =	ssettag $0x1  }
0x1: {  	s0 =	rddreg [dreg:$0x0]  }
0x2: {  	s1 =	rddreg [dreg:$0x1];
	s3 =	simm.s32 $0x0;
	s2 =	stileid.u32  }
0x3: {  	s7 =	srdreg.scid;
	s17 =	simm.s32 $0x2710;
	s18 =	simm.s32 $0x4E20  }
0x4: {  	s19 =	simm.s32 $0x4EA0;
	s20 =	simm.s32 $0x80;
	s21 =	simm.s32 $0x4F20  }
0x5: {  	s22 =	simm.s32 $0x1;
	s23 =	simm.s32 $0x6720;
	s24 =	simm.s32 $0x5720  }
0x6: {  	s25 =	simm.s32 $0x0;
	[smem:$0x7FF] =	sst s3;
	s4 =	sadd.s32 $0xBE00, s0  }
0x7: {  	s5 =	sadd.s32 $0x1C00, s0;
	s10 =	smul.u32 $0x5000, s2;
	s6 =	sadd.s32 $0x1B600, s0  }
0x8: {  	s11 =	sand.u32 $0x1, s7;
	s9 =	smul.u32 $0xA00, s2;
	s7 =	sadd.s32 $0x1B000, s0  }
0x9: {  	s8 =	sadd.s32 $0x16000, s0;
	s31 =	sshll.u32 s2, $0x6;
	s16 =	smul.u32 $0x2880, s2  }
0xa: {  	_ =	strace $0x8000004A;
	s13 =	smul.u32 $0xA000, s11;
	s14 =	sshll.u32 s11, $0x4  }
0xb: {  	s28 =	ssub.s32 $0x2, s11;
	s30 =	smul.u32 $0x28800, s11;
	s11 =	sor.u32 $0x1C02, s31  }
0xc: {  	s12 =	sshrl.u32 s10, $0x3;
	s14 =	sor.u32 s2, s14;
	s15 =	sshrl.u32 s28, $0x1  }
0xd: {  	s29 =	sadd.s32 s10, s1;
	s12 =	sadd.s32 s12, s0;
	s9 =	sadd.s32 s9, s13  }
0xe: {  	s13 =	ssub.s32 s28, s15;
	s15 =	sshrl.u32 s29, $0x3;
	s0 =	sadd.s32 s9, s0  }
0xf: {  	v0 =	vlaneseq.u32;
	s9 =	smul.u32 $0x2880, s14;
	s10 =	sadd.s32 $0x1BC00, s12;
	s13 =	smax.u32 s13, $0x1  }
0x10: {  	vm0 =	vmmov $0x1;
	v1 =	vor.u32 $0x10, v0;
	s14 =	sadd.s32 s16, s30;
	s16 =	simm.s32 $0x2;
	s12 =	sadd.s32 $0x25C00, s0  }
.LBB2_1:
0x11: {  	[spmem:s15], [sflag:s11] =	dma.local [hbm:s10], $0xA00  }
0x12: {  	_ =	swait.ge [sflag:s16], $0xA00  }
0x13: {  	[sflag:s16] =	ssyncset.done $0x0  }
0x14: {  	[sflag:s16] =	ssyncadd.s32 $0xFFFFF600  }
0x15: {  	[tilespmem:s3], [sflag:$0x2] =	stream.linear.gather [hbm4b:s6+s3], $0x2710, $0x38;
	[tilespmem:$0xB7A0] =	vst v63  }
0x16: {  	_ =	swait.ge [sflag:s16], $0x2710  }
0x17: {  	[sflag:s16] =	ssyncset.done $0x0  }
0x18: {  	[sflag:s16] =	ssyncadd.s32 $0xFFFFD8F0  }
0x19: {  	[tilespmem:s17], [sflag:$0x2] =	stream.linear.gather [hbm4b:s7+s3], $0x2710, $0x38;
	[tilespmem:$0xB7A0] =	vst v63  }
0x1a: {  	_ =	swait.ge [sflag:s16], $0x2710  }
0x1b: {  	[sflag:s16] =	ssyncset.done $0x0  }
0x1c: {  	[sflag:s16] =	ssyncadd.s32 $0xFFFFD8F0  }
0x1d: {  	s26 =	smov.u32 s14;
	s28 =	simm.s32 $0x0;
	[bflag:$0x0] =	sbarrier.arrive $0xFFFF  }
.LBB2_2:
0x1e: {  	s0 =	sshll.u32 s28, $0x7  }
0x1f: {  	s0 =	sadd.s32 s9, s0  }
0x20: {  	s0 =	sshrl.u32 s0, $0x3  }
0x21: {  	s30 =	simm.s32 $0x0;
	s29 =	sadd.s32 s4, s0  }
0x22: {  	[tilespmem:s18], [sflag:$0x2] =	stream.linear.gather [hbm4b:s29+s30], $0x80, $0x38;
	[tilespmem:$0xB7A0] =	vst v63  }
0x23: {  	_ =	swait.ge [sflag:s16], $0x80  }
0x24: {  	[sflag:s16] =	ssyncset.done $0x0  }
0x25: {  	s0 =	sadd.s32 s5, s0;
	[sflag:s16] =	ssyncadd.s32 $0xFFFFFF80  }
0x26: {  	[tilespmem:s19], [sflag:$0x2] =	stream.linear.gather [hbm4b:s0+s30], $0x80, $0x38;
	[tilespmem:$0xB7A0] =	vst v63  }
0x27: {  	_ =	swait.ge [sflag:s16], $0x80  }
0x28: {  	[sflag:s16] =	ssyncset.done $0x0  }
0x29: {  	s0 =	simm.s32 $0x0;
	[sflag:s16] =	ssyncadd.s32 $0xFFFFFF80  }
0x2a: {  	[tilespmem:s21], [sflag:$0x1] =	stream.indirect.gather [hbm4b:s8+s20], $0x10, s18, s20, $0xb8;
	[tilespmem:$0xB7A0] =	vst v63  }
0x2b: {  	v2 =	vld [tilespmem:s0+$0x4EA0]  }
0x2c: {  	v3 =	vld [tilespmem:s0+$0x4E20];
	_ =	sdelay $0x6  }
0x2d: {  	v2 =	vld.idx.msk [tilespmem:v2+s17+$0x0], $0xffff  }
0x2e: {  	v3 =	vld.idx.msk [tilespmem:v3+s3+$0x0], $0xffff;
	_ =	sdelay $0x4  }
0x2f: {  	v2 =	vadd.f32 v2, v3;
	_ =	sdelay $0x1  }
0x30: {  	v3 =	vmul.f32 $2.000000030e-01, v2  }
0x31: {  	vm1 =	vge.f32 v2, $0.0e+00  }
0x32: {  	v2 =	vsel vm1, v2, v3  }
0x33: {  	v2 =	vmul.f32 $1.442695020e+00, v2;
	_ =	sdelay $0x1  }
0x34: {  	(erf) = vpow2.f32 v2;
	_ =	sdelay $0x2  }
0x35: {  	s29 =	simm.s32 $0x10  }
0x36: {  	v2 =	vld [tilespmem:s29+$0x4EA0]  }
0x37: {  	v3 =	vld [tilespmem:s29+$0x4E20];
	_ =	sdelay $0x3  }
0x38: {  	p0 =	slt.u32 s26, $0x50910;
	v4 =	vpop (erf)  }
0x39: {  	v4 =	vpsel !p0, $0x0, v4  }
0x3a: {  	[tilespmem:s0+$0x6720] =	vst v4  }
0x3b: {  	v2 =	vld.idx.msk [tilespmem:v2+s17+$0x0], $0xffff  }
0x3c: {  	v3 =	vld.idx.msk [tilespmem:v3+s3+$0x0], $0xffff;
	_ =	sdelay $0x4  }
0x3d: {  	v2 =	vadd.f32 v2, v3;
	_ =	sdelay $0x1  }
0x3e: {  	v3 =	vmul.f32 $2.000000030e-01, v2  }
0x3f: {  	vm1 =	vge.f32 v2, $0.0e+00  }
0x40: {  	v2 =	vsel vm1, v2, v3  }
0x41: {  	v2 =	vmul.f32 $1.442695020e+00, v2;
	_ =	sdelay $0x1  }
0x42: {  	(erf) = vpow2.f32 v2;
	_ =	sdelay $0x2  }
0x43: {  	s0 =	simm.s32 $0x20  }
0x44: {  	s31 =	simm.s32 $0xC0;
	s30 =	smov.u32 s26;
	v2 =	vld [tilespmem:s0+$0x4EA0]  }
.LBB2_3:
0x45: {  	p0 =	sne.s32 s31, $0x1C0;
	v3 =	vld [tilespmem:s0+$0x4E20];
	_ =	sdelay $0x2  }
0x46: {  	s30 =	sadd.s32 $0x10, s30  }
0x47: {  	p1 =	slt.u32 s30, $0x50910;
	v4 =	vpop (erf)  }
0x48: {  	v4 =	vpsel !p1, $0x0, v4  }
0x49: {  	[tilespmem:s29+$0x6720] =	vst v4;
	s29 =	smov.u32 s0  }
0x4a: {  	v2 =	vld.idx.msk [tilespmem:v2+s17+$0x0], $0xffff  }
0x4b: {  	v3 =	vld.idx.msk [tilespmem:v3+s3+$0x0], $0xffff;
	_ =	sdelay $0x5  }
0x4c: {  	v2 =	vadd.f32 v2, v3;
	_ =	sdelay $0x1  }
0x4d: {  	v3 =	vmul.f32 $2.000000030e-01, v2  }
0x4e: {  	vm1 =	vge.f32 v2, $0.0e+00  }
0x4f: {  	v2 =	vsel vm1, v2, v3  }
0x50: {  	v2 =	vmul.f32 $1.442695020e+00, v2;
	_ =	sdelay $0x1  }
.Ltmp0:
0x51: {  	(erf) = vpow2.f32 v2;
	(pc) =	sbr.rel @p0 .LBB2_3-.Ltmp0, $3  }
0x52: {  	_ =	sdelay $0x1  }
0x53: {  	s0 =	sshra.s32 s31, $0x2  }
0x54: {  	s31 =	sadd.s32 $0x40, s31;
	v2 =	vld [tilespmem:s0+$0x4EA0]  }
0x55: {  	_ = 	snop  }
0x56: {  	v3 =	vld [tilespmem:s0+$0x4E20];
	_ =	sdelay $0x2  }
0x57: {  	s30 =	sadd.s32 $0x10, s30  }
0x58: {  	p0 =	slt.u32 s30, $0x50910;
	v4 =	vpop (erf)  }
0x59: {  	v4 =	vpsel !p0, $0x0, v4  }
0x5a: {  	[tilespmem:s29+$0x6720] =	vst v4  }
0x5b: {  	v2 =	vld.idx.msk [tilespmem:v2+s17+$0x0], $0xffff  }
0x5c: {  	v3 =	vld.idx.msk [tilespmem:v3+s3+$0x0], $0xffff;
	_ =	sdelay $0x4  }
0x5d: {  	v2 =	vadd.f32 v2, v3;
	_ =	sdelay $0x1  }
0x5e: {  	v3 =	vmul.f32 $2.000000030e-01, v2  }
0x5f: {  	vm1 =	vge.f32 v2, $0.0e+00  }
0x60: {  	v2 =	vsel vm1, v2, v3  }
0x61: {  	v2 =	vmul.f32 $1.442695020e+00, v2;
	_ =	sdelay $0x1  }
0x62: {  	(erf) = vpow2.f32 v2;
	_ =	sdelay $0x6  }
0x63: {  	s31 =	simm.s32 $0x0  }
0x64: {  	s30 =	sadd.s32 $0x10, s30;
	v4 =	vmov s31  }
0x65: {  	p6 =	slt.u32 s30, $0x50910;
	v3 =	vshll.u32 v4, $0x4;
	v2 =	vpop (erf)  }
0x66: {  	v3 =	vor.u32 v0, v3;
	v2 =	vpsel !p6, $0x0, v2  }
0x67: {  	[tilespmem:s0+$0x6720] =	vst v2  }
0x68: {  	_ =	swait.ge [sflag:s22], $0x800  }
0x69: {  	[sflag:s22] =	ssyncset.done $0x0  }
0x6a: {  	[sflag:s22] =	ssyncadd.s32 $0xFFFFF800  }
0x6b: {  	v3 =	vld.idx.msk [tilespmem:v3+s21+$0x0], $0xffff  }
0x6c: {  	v6 =	vshll.u32 v4, $0x5;
	v4 =	vld.idx.msk [tilespmem:v4+s23+$0x0], $0xffff  }
0x6d: {  	s31 =	simm.s32 $0x1  }
0x6e: {  	v5 =	vor.u32 v0, v6;
	v2 =	vmov s31  }
0x6f: {  	v6 =	vor.u32 v1, v6;
	v7 =	vshll.u32 v2, $0x4  }
0x70: {  	s0 =	simm.s32 $0x2;
	v7 =	vor.u32 v0, v7  }
.LBB2_5:
0x71: {  	p0 =	sne.s32 s0, $0x7F;
	v3 =	vmul.f32 v3, v4;
	v4 =	vnsel vm0, $0x0, v4;
	_ =	sdelay $0x1  }
0x72: {  	[tilespmem:v5+s24+$0x0] =	vst.idx.msk $0xffff, v3  }
0x73: {  	[tilespmem:v6+s24+$0x0] =	vst.idx.msk $0xffff, v4  }
0x74: {  	v3 =	vld.idx.msk [tilespmem:v7+s21+$0x0], $0xffff  }
0x75: {  	v4 =	vld.idx.msk [tilespmem:v2+s23+$0x0], $0xffff  }
.Ltmp1:
0x76: {  	(pc) =	sbr.rel @p0 .LBB2_5-.Ltmp1, $4  }
0x77: {  	v6 =	vshll.u32 v2, $0x5  }
0x78: {  	v5 =	vor.u32 v0, v6;
	v2 =	vmov s0  }
0x79: {  	v6 =	vor.u32 v1, v6;
	v7 =	vshll.u32 v2, $0x4  }
0x7a: {  	s0 =	sadd.s32 $0x1, s0;
	v7 =	vor.u32 v0, v7  }
0x7b: {  	_ =	sdelay $0x1  }
0x7c: {  	v3 =	vmul.f32 v3, v4;
	_ =	sdelay $0x1  }
0x7d: {  	v62 =	vnsel vm0, $0x0, v4;
	[tilespmem:v5+s24+$0x0] =	vst.idx.msk $0xffff, v3  }
0x7e: {  	[tilespmem:v6+s24+$0x0] =	vst.idx.msk $0xffff, v62  }
0x7f: {  	v3 =	vld.idx.msk [tilespmem:v7+s21+$0x0], $0xffff  }
0x80: {  	v4 =	vld.idx.msk [tilespmem:v2+s23+$0x0], $0xffff  }
0x81: {  	v2 =	vshll.u32 v2, $0x5  }
0x82: {  	v63 =	vor.u32 v0, v2  }
0x83: {  	v2 =	vor.u32 v1, v2;
	_ =	sdelay $0x1  }
0x84: {  	v3 =	vmul.f32 v3, v4  }
0x85: {  	s28 =	sadd.s32 $0x1, s28  }
0x86: {  	p0 =	sne.s32 s28, $0x51;
	v4 =	vnsel vm0, $0x0, v4;
	[tilespmem:v63+s24+$0x0] =	vst.idx.msk $0xffff, v3  }
.Ltmp2:
0x87: {  	[tilespmem:v2+s24+$0x0] =	vst.idx.msk $0xffff, v4;
	(pc) =	sbr.rel @p0 .LBB2_2-.Ltmp2, $4  }
0x88: {  	[spmem:s1] =	stream.indirect.scatter.add.f32 [tilespmem:s24], [sflag:$0x2], $0x20, s19, s20, $0xb8;
	[tilespmem:$0xB7A0] =	vst v63  }
0x89: {  	_ =	swait.ge [sflag:s16], $0x1000  }
0x8a: {  	[sflag:s16] =	ssyncset.done $0x0  }
0x8b: {  	s26 =	sadd.s32 $0x80, s26;
	[sflag:s16] =	ssyncadd.s32 $0xFFFFF000  }
0x8c: {  	s25 =	sadd.s32 $0x1, s25  }
0x8d: {  	p0 =	sne.s32 s25, s13  }
.Ltmp3:
0x8e: {  	[bflag:$0x0] =	sbarrier.arrive $0xFFFF;
	(pc) =	sbr.rel @p0 .LBB2_1-.Ltmp3, $4  }
0x8f: {  	[hbm:s12], [sflag:s11] =	dma.local [spmem:s15], $0xA00  }
0x90: {  	_ =	swait.ge [sflag:s16], $0xA00  }
0x91: {  	[sflag:s16] =	ssyncset.done $0x0  }
0x92: {  	[sflag:s16] =	ssyncadd.s32 $0xFFFFF600  }
0x93: {  	_ =	sfence.sel $0x180000  }
0x94: {  	[bflag:$0x0] =	sbarrier.arrive $0xFFFF  }
0x95: {  	_ =	strace $0x9000004A  }
0x96: {  	[bflag:$0x2] =	sbarrier.arrive $0xFFFF  }
0x97: {  	p0 =	sne.s32 s2, $0x0;
	s0 =	rddreg [dreg:$0x2]  }
0x98: {  	s0 =	sadd.s32 @!p0 $0x100000, s0  }
0x99: {  	[sflag:s0] =	ssyncadd.tile.s32 @!p0 $0x1;
	_ =	shalt  }
.Lfunc_end2:
_tile_overlayer_lowered:
.L_overlay_start_2:
0x9a: {  	(tag) =	ssettag $0x2  }
0x9b: {  	s0 =	rddreg [dreg:$0x0];
	s2 =	stileid.u32  }
0x9c: {  	s1 =	rddreg [dreg:$0x1];
	p0 =	sne.s32 s2, $0x0  }
0x9d: {  	s3 =	rddreg [dreg:$0x2];
	[bflag:$0x3] =	sbarrier.arrive $0xFFFF;
	s2 =	simm.s32 @!p0 $0x1C02  }
0x9e: {  	[timem:s3], [sflag:s2] =	dma.local @!p0 [hbm:s0], s1  }
0x9f: {  	s0 =	simm.s32 @!p0 $0x2  }
0xa0: {  	_ =	swait.ge @!p0 [sflag:s0], s1  }
0xa1: {  	s1 =	ssub.s32 @!p0 $0x0, s1;
	[sflag:s0] =	ssyncset.done @!p0 $0x0  }
0xa2: {  	[sflag:s0] =	ssyncadd.s32 @!p0 s1  }
0xa3: {  	[bflag:$0x3] =	sbarrier.arrive $0xFFFF  }
0xa4: {  	_ =	shalt  }

// kernel: kernel.7.cloned.1.call-start
scs
__scs_entry_jumppad:
0x0: {  	(pc) =	sbr.rel $0x88, $3  }
0x1: {  	(tag) =	ssettag $0x0;
	lr =	simm.s32 $0x1  }
0x2: {  	[smem:$0x3F8A] =	sst lr;
	_ =	strace $0xD0000000  }
0x3: {  	_ = 	snop  }
0x4: {  	_ = 	snop  }
0x5: {  	_ = 	snop  }
0x6: {  	_ = 	snop  }
0x7: {  	_ = 	snop  }
__scs_overlays_trampoline_lowered:
0x8: {  	[smem:$0x3F99] =	sst s0  }
0x9: {  	[smem:$0x3F9A] =	sst s1  }
0xa: {  	[smem:$0x3F9B] =	sst s2  }
0xb: {  	[smem:$0x3F9C] =	sst s3  }
0xc: {  	[smem:$0x3F9D] =	sst s4  }
0xd: {  	[smem:$0x3F9E] =	sst s5  }
0xe: {  	[smem:$0x3F9F] =	sst s6  }
0xf: {  	[smem:$0x3FA0] =	sst s7  }
0x10: {  	[smem:$0x3FA1] =	sst s8  }
0x11: {  	[smem:$0x3FA2] =	sst s9;
	s0 =	simm.s32 @!p0 $0x0  }
0x12: {  	s1 =	sld [smem:$0x3F88];
	s0 =	simm.s32 @p0 $0x1  }
0x13: {  	[smem:$0x3FA3] =	sst s0;
	s0 =	simm.s32 @!p1 $0x0  }
0x14: {  	s2 =	sld [smem:$0x3F87];
	s0 =	simm.s32 @p1 $0x1  }
0x15: {  	[smem:$0x3FA4] =	sst s0;
	s0 =	simm.s32 @!p2 $0x0  }
0x16: {  	s3 =	sld [smem:$0x3FDB];
	s0 =	simm.s32 @p2 $0x1  }
0x17: {  	s4 =	simm.s32 $0x1BF5;
	[smem:$0x3FA6] =	sst s0  }
0x18: {  	s0 =	sld [smem:$0x3F89];
	_ =	swait.ge [sflag:s4], $0x0  }
0x19: {  	s7 =	sld [smem:$0x3F8A]  }
0x1a: {  	s8 =	sadd.s32 $0xFFFFE003, lr  }
0x1b: {  	s9 =	sadd.s32 $0xFFFFFEF7, lr;
	s5 =	simm.s32 $0xFFFFFFFF;
	p2 =	slt.u32 s8, $0xFFFFF086  }
0x1c: {  	p1 =	slt.u32 s9, $0xF7A;
	s5 =	simm.s32 @!p2 $0x0  }
0x1d: {  	s5 =	simm.s32 @p1 $0x1;
	p0 =	seq.s32 s7, s2  }
0x1e: {  	s7 =	smul.u32 @!p0 $0xF7A, s2;
	p2 =	seq.s32 @!p0 s5, $0x0  }
0x1f: {  	s9 =	smul.u32 $0xF7A, s1;
	s8 =	simm.s32 @!p0 $0x1BF5;
	p2 =	por !p2, p0  }
0x20: {  	[sflag:s8] =	ssyncset.s32 @!p0 $0xFFFFF086;
	s6 =	sadd.s32 @!p0 s3, s7;
	s7 =	simm.s32 @!p0 $0x108  }
0x21: {  	s3 =	sadd.s32 s3, s9;
	s6 =	sadd.s32 @!p0 $0x88, s6;
	s7 =	simm.s32 @p2 $0x1082  }
0x22: {  	[simem:s7], [sflag:s8] =	dma.local @!p0 [hbm:s6], $0xF7A  }
0x23: {  	s9 =	sor.u32 $0xD0000000, s2;
	s6 =	simm.s32 $0x108;
	_ =	swait.ge @!p0 [sflag:s8], $0x0  }
0x24: {  	s3 =	sadd.s32 $0x88, s3;
	s6 =	simm.s32 @!p1 $0x1082;
	[sflag:s4] =	ssyncset.s32 $0xFFFFF086  }
0x25: {  	[simem:s6], [sflag:s4] =	dma.local [hbm:s3], $0xF7A  }
0x26: {  	[smem:$0x3F8A] =	sst s1;
	(tag) =	ssettag s2;
	_ =	strace s9  }
0x27: {  	s1 =	sld [smem:$0x3F9A]  }
0x28: {  	s2 =	sld [smem:$0x3F9B]  }
0x29: {  	s4 =	sld [smem:$0x3F9D]  }
0x2a: {  	p0 =	seq.s32 s5, $0x0;
	s5 =	sld [smem:$0x3F9E]  }
0x2b: {  	s6 =	sld [smem:$0x3F9F]  }
0x2c: {  	s7 =	sld [smem:$0x3FA0]  }
0x2d: {  	s3 =	simm.s32 $0x108;
	s8 =	sld [smem:$0x3FA1]  }
0x2e: {  	s3 =	simm.s32 @!p0 $0x1082;
	s9 =	sld [smem:$0x3FA2]  }
0x2f: {  	lr =	sadd.s32 s0, s3;
	s0 =	sld [smem:$0x3F99]  }
0x30: {  	s3 =	sld [smem:$0x3F9C]  }
0x31: {  	[smem:$0x3FA5] =	sst s10  }
0x32: {  	s10 =	sld [smem:$0x3FA3];
	_ =	sdelay $0x3  }
0x33: {  	p0 =	seq.s32 s10, $0x1;
	s10 =	sld [smem:$0x3FA5];
	_ =	sdelay $0x3  }
0x34: {  	[smem:$0x3FA5] =	sst s10  }
0x35: {  	s10 =	sld [smem:$0x3FA4];
	_ =	sdelay $0x3  }
0x36: {  	p1 =	seq.s32 s10, $0x1;
	s10 =	sld [smem:$0x3FA5];
	_ =	sdelay $0x3  }
0x37: {  	[smem:$0x3FA5] =	sst s10  }
0x38: {  	s10 =	sld [smem:$0x3FA6]  }
0x39: {  	_ = 	snop;
	(pc) =	sbr.ind lr, $3  }
0x3a: {  	_ = 	snop  }
0x3b: {  	_ = 	snop  }
0x3c: {  	p2 =	seq.s32 s10, $0x1;
	s10 =	sld [smem:$0x3FA5]  }
0x3d: {  	_ =	shalt  }
0x3e: {  	_ =	shalt  }
0x3f: {  	_ =	shalt  }
0x40: {  	_ =	shalt  }
0x41: {  	_ =	shalt  }
0x42: {  	_ =	shalt  }
0x43: {  	_ =	shalt  }
0x44: {  	_ =	shalt  }
0x45: {  	_ =	shalt  }
0x46: {  	_ =	shalt  }
0x47: {  	_ =	shalt  }
0x48: {  	_ =	shalt  }
0x49: {  	_ =	shalt  }
0x4a: {  	_ =	shalt  }
0x4b: {  	_ =	shalt  }
0x4c: {  	_ =	shalt  }
0x4d: {  	_ =	shalt  }
0x4e: {  	_ =	shalt  }
0x4f: {  	_ =	shalt  }
0x50: {  	_ =	shalt  }
0x51: {  	_ =	shalt  }
0x52: {  	_ =	shalt  }
0x53: {  	_ =	shalt  }
0x54: {  	_ =	shalt  }
0x55: {  	_ =	shalt  }
0x56: {  	_ =	shalt  }
0x57: {  	_ =	shalt  }
0x58: {  	_ =	shalt  }
0x59: {  	_ =	shalt  }
0x5a: {  	_ =	shalt  }
0x5b: {  	_ =	shalt  }
0x5c: {  	_ =	shalt  }
0x5d: {  	_ =	shalt  }
0x5e: {  	_ =	shalt  }
0x5f: {  	_ =	shalt  }
0x60: {  	_ =	shalt  }
0x61: {  	_ =	shalt  }
0x62: {  	_ =	shalt  }
0x63: {  	_ =	shalt  }
0x64: {  	_ =	shalt  }
0x65: {  	_ =	shalt  }
0x66: {  	_ =	shalt  }
0x67: {  	_ =	shalt  }
0x68: {  	_ =	shalt  }
0x69: {  	_ =	shalt  }
0x6a: {  	_ =	shalt  }
0x6b: {  	_ =	shalt  }
0x6c: {  	_ =	shalt  }
0x6d: {  	_ =	shalt  }
0x6e: {  	_ =	shalt  }
0x6f: {  	_ =	shalt  }
0x70: {  	_ =	shalt  }
0x71: {  	_ =	shalt  }
0x72: {  	_ =	shalt  }
0x73: {  	_ =	shalt  }
0x74: {  	_ =	shalt  }
0x75: {  	_ =	shalt  }
0x76: {  	_ =	shalt  }
0x77: {  	_ =	shalt  }
0x78: {  	_ =	shalt  }
0x79: {  	_ =	shalt  }
0x7a: {  	_ =	shalt  }
0x7b: {  	_ =	shalt  }
0x7c: {  	_ =	shalt  }
0x7d: {  	_ =	shalt  }
0x7e: {  	_ =	shalt  }
0x7f: {  	_ =	shalt  }
0x80: {  	_ =	shalt  }
0x81: {  	_ =	shalt  }
0x82: {  	_ =	shalt  }
0x83: {  	_ =	shalt  }
0x84: {  	_ =	shalt  }
0x85: {  	_ =	shalt  }
0x86: {  	_ =	shalt  }
0x87: {  	_ =	shalt  }
.Lfunc_end0:
.L_simem_size_0:
called_computation_lowered:
.L_overlay_start_0:
0x88: {  	s2 =	sld [smem:$0x3FD9]  }
0x89: {  	s3 =	sld [smem:$0x3FFE];
	_ =	sdelay $0x1  }
0x8a: {  	s1 =	srdreg.scid  }
0x8b: {  	s0 =	sand.u32 $0x1, s1  }
0x8c: {  	s16 =	sshll.u32 s0, $0xA;
	s2 =	sadd.s32 s3, s2  }
0x8d: {  	s2 =	sadd.s32 s2, s16  }
0x8e: {  	[smem:$0x3FB1] =	sst s2  }
0x8f: {  	_ = 	snop  }
0x90: {  	(tm) =	ssettm $0x1  }
0x91: {  	s17 =	sld [smem:$0x3FFB];
	_ =	sdelay $0x3  }
0x92: {  	_ =	strace s17  }
0x93: {  	s2 =	sld [smem:$0x3FFC];
	_ =	sdelay $0x3  }
0x94: {  	_ =	strace s2  }
0x95: {  	s2 =	sld [smem:$0x3FFD];
	_ =	sdelay $0x3  }
0x96: {  	_ =	strace s2  }
0x97: {  	_ =	strace $0x8FFFFFFF  }
0x98: {  	s18 =	sld [smem:$0x3FDB];
	_ =	sdelay $0x1  }
0x99: {  	s19 =	simm.s32 $_scs_section_size  }
0x9a: {  	s4 =	simm.s32 $_size__tile_overlayer_lowered;
	s5 =	simm.s32 $_tile_overlayer_lowered  }
0x9b: {  	s22 =	simm.s32 $0x1BFF;
	s21 =	sshll.u32 s5, $0x1;
	s2 =	sadd.s32 s19, s18  }
0x9c: {  	s6 =	simm.s32 $0x0;
	s20 =	sshll.u32 s4, $0x1;
	s4 =	sadd.s32 s21, s2  }
0x9d: {  	[timem:s6], [sflag:s22] =	dma.local [hbm:s4], s20  }
0x9e: {  	_ =	swait.ge [sflag:s22], s20  }
0x9f: {  	s3 =	ssub.s32 $0x0, s20;
	[sflag:s22] =	ssyncset.done $0x0  }
0xa0: {  	[sflag:s22] =	ssyncadd.s32 s3;
	_ =	sdelay $0x1  }
0xa1: {  	s23 =	simm.s32 $0x1B8B  }
0xa2: {  	_ =	swait.ge [sflag:s23], $0x1  }
0xa3: {  	[sflag:s23] =	ssyncset.done $0x0  }
0xa4: {  	s25 =	simm.s32 $0x1B8E;
	s24 =	sld [smem:$0x3FFE];
	[sflag:s23] =	ssyncadd.s32 $0xFFFFFFFF  }
0xa5: {  	s26 =	simm.s32 $execute0_lowered;
	[smem:$0x3FD2] =	sst s25  }
0xa6: {  	s4 =	sshll.u32 s26, $0x1;
	_ =	strace $0x80000046;
	[dreg:$0x1] =	wrdreg $0xFFFFFFFF  }
0xa7: {  	s28 =	simm.s32 $_size_execute0_lowered;
	s2 =	sadd.s32 s2, s4;
	[dreg:$0x0] =	wrdreg $0x0  }
0xa8: {  	s4 =	sshll.u32 s28, $0x1;
	[dreg:$0x2] =	wrdreg s2  }
0xa9: {  	[dreg:$0x3] =	wrdreg s4  }
0xaa: {  	[dreg:$0x4] =	wrdreg $0xC0  }
0xab: {  	_ =	task [dreg:s6], $0x5FFFF  }
0xac: {  	[dreg:$0x1] =	wrdreg $0xFFFFFFFF  }
0xad: {  	[dreg:$0x0] =	wrdreg $0x60  }
0xae: {  	[dreg:$0x2] =	wrdreg s24  }
0xaf: {  	[dreg:$0x3] =	wrdreg $0x67A00  }
0xb0: {  	[dreg:$0x4] =	wrdreg $0x9  }
0xb1: {  	_ =	task.clear_ibuf [dreg:s6], $0x5FFFF;
	_ =	strace $0x90000046  }
0xb2: {  	s29 =	simm.s32 $0x9;
	_ =	strace $0x80000048  }
0xb3: {  	_ =	swait.ge [sflag:s29], $0x1  }
0xb4: {  	[sflag:s29] =	ssyncadd.s32 $0xFFFFFFFF  }
0xb5: {  	_ =	strace $0x90000048  }
0xb6: {  	_ =	sfence  }
0xb7: {  	s30 =	sld [smem:$0x0];
	_ =	sdelay $0x2  }
0xb8: {  	s31 =	sshll.u32 s1, $0xD;
	s1 =	sshrl.u32 s1, $0x2  }
0xb9: {  	s3 =	sand.u32 $0x4000, s31;
	s1 =	sadd.s32 s1, s30  }
0xba: {  	s0 =	sor.u32 s3, s0;
	s1 =	sshll.u32 s1, $0x11  }
0xbb: {  	s0 =	sor.u32 s1, s0  }
0xbc: {  	s0 =	sadd.s32 $0x8F2B, s0  }
0xbd: {  	[sflag:s0] =	ssyncadd.remote.s32 $0x1  }
0xbe: {  	_ =	sfence.sel $0xFFFF  }
0xbf: {  	[dreg:$0x0] =	wrdreg $0xFFFFFFFF;
	(pc) =	sbr.abs _section_cstart, $3  }
0xc0: {  	[dreg:$0x1] =	wrdreg $0xFFFFFFFF  }
0xc1: {  	_ =	task.clear_ibuf [dreg:s6], $0x2FFFF;
	_ =	strace $0x9FFFFFFF  }
0xc2: {  	(tm) =	ssettm $0x7FFFFFFF  }
0xc3: {  	_ =	shalt  }
tec
execute0_lowered:
.L_overlay_start_1:
0x0: {  	(tag) =	ssettag $0x1  }
0x1: {  	s0 =	rddreg [dreg:$0x0]  }
0x2: {  	s1 =	rddreg [dreg:$0x1];
	s3 =	simm.s32 $0x0;
	s2 =	stileid.u32  }
0x3: {  	s7 =	srdreg.scid;
	s17 =	simm.s32 $0x2710;
	s18 =	simm.s32 $0x4E20  }
0x4: {  	s19 =	simm.s32 $0x4EA0;
	s20 =	simm.s32 $0x80;
	s21 =	simm.s32 $0x4F20  }
0x5: {  	s22 =	simm.s32 $0x1;
	s23 =	simm.s32 $0x6720;
	s24 =	simm.s32 $0x5720  }
0x6: {  	s25 =	simm.s32 $0x0;
	[smem:$0x7FF] =	sst s3;
	s4 =	sadd.s32 $0xBE00, s0  }
0x7: {  	s5 =	sadd.s32 $0x1C00, s0;
	s10 =	smul.u32 $0x5000, s2;
	s6 =	sadd.s32 $0x1B600, s0  }
0x8: {  	s11 =	sand.u32 $0x1, s7;
	s9 =	smul.u32 $0xA00, s2;
	s7 =	sadd.s32 $0x1B000, s0  }
0x9: {  	s8 =	sadd.s32 $0x16000, s0;
	s31 =	sshll.u32 s2, $0x6;
	s16 =	smul.u32 $0x2880, s2  }
0xa: {  	_ =	strace $0x80000047;
	s13 =	smul.u32 $0xA000, s11;
	s14 =	sshll.u32 s11, $0x4  }
0xb: {  	s28 =	ssub.s32 $0x2, s11;
	s30 =	smul.u32 $0x28800, s11;
	s11 =	sor.u32 $0x1C02, s31  }
0xc: {  	s12 =	sshrl.u32 s10, $0x3;
	s14 =	sor.u32 s2, s14;
	s15 =	sshrl.u32 s28, $0x1  }
0xd: {  	s29 =	sadd.s32 s10, s1;
	s12 =	sadd.s32 s12, s0;
	s9 =	sadd.s32 s9, s13  }
0xe: {  	s13 =	ssub.s32 s28, s15;
	s15 =	sshrl.u32 s29, $0x3;
	s0 =	sadd.s32 s9, s0  }
0xf: {  	v0 =	vlaneseq.u32;
	s9 =	smul.u32 $0x2880, s14;
	s10 =	sadd.s32 $0x1BC00, s12;
	s13 =	smax.u32 s13, $0x1  }
0x10: {  	vm0 =	vmmov $0x1;
	v1 =	vor.u32 $0x10, v0;
	s14 =	sadd.s32 s16, s30;
	s16 =	simm.s32 $0x2;
	s12 =	sadd.s32 $0x25C00, s0  }
.LBB2_1:
0x11: {  	[spmem:s15], [sflag:s11] =	dma.local [hbm:s10], $0xA00  }
0x12: {  	_ =	swait.ge [sflag:s16], $0xA00  }
0x13: {  	[sflag:s16] =	ssyncset.done $0x0  }
0x14: {  	[sflag:s16] =	ssyncadd.s32 $0xFFFFF600  }
0x15: {  	[tilespmem:s3], [sflag:$0x2] =	stream.linear.gather [hbm4b:s6+s3], $0x2710, $0x38;
	[tilespmem:$0xB7A0] =	vst v63  }
0x16: {  	_ =	swait.ge [sflag:s16], $0x2710  }
0x17: {  	[sflag:s16] =	ssyncset.done $0x0  }
0x18: {  	[sflag:s16] =	ssyncadd.s32 $0xFFFFD8F0  }
0x19: {  	[tilespmem:s17], [sflag:$0x2] =	stream.linear.gather [hbm4b:s7+s3], $0x2710, $0x38;
	[tilespmem:$0xB7A0] =	vst v63  }
0x1a: {  	_ =	swait.ge [sflag:s16], $0x2710  }
0x1b: {  	[sflag:s16] =	ssyncset.done $0x0  }
0x1c: {  	[sflag:s16] =	ssyncadd.s32 $0xFFFFD8F0  }
0x1d: {  	s26 =	smov.u32 s14;
	s28 =	simm.s32 $0x0;
	[bflag:$0x0] =	sbarrier.arrive $0xFFFF  }
.LBB2_2:
0x1e: {  	s0 =	sshll.u32 s28, $0x7  }
0x1f: {  	s0 =	sadd.s32 s9, s0  }
0x20: {  	s0 =	sshrl.u32 s0, $0x3  }
0x21: {  	s30 =	simm.s32 $0x0;
	s29 =	sadd.s32 s4, s0  }
0x22: {  	[tilespmem:s18], [sflag:$0x2] =	stream.linear.gather [hbm4b:s29+s30], $0x80, $0x38;
	[tilespmem:$0xB7A0] =	vst v63  }
0x23: {  	_ =	swait.ge [sflag:s16], $0x80  }
0x24: {  	[sflag:s16] =	ssyncset.done $0x0  }
0x25: {  	s0 =	sadd.s32 s5, s0;
	[sflag:s16] =	ssyncadd.s32 $0xFFFFFF80  }
0x26: {  	[tilespmem:s19], [sflag:$0x2] =	stream.linear.gather [hbm4b:s0+s30], $0x80, $0x38;
	[tilespmem:$0xB7A0] =	vst v63  }
0x27: {  	_ =	swait.ge [sflag:s16], $0x80  }
0x28: {  	[sflag:s16] =	ssyncset.done $0x0  }
0x29: {  	s0 =	simm.s32 $0x0;
	[sflag:s16] =	ssyncadd.s32 $0xFFFFFF80  }
0x2a: {  	[tilespmem:s21], [sflag:$0x1] =	stream.indirect.gather [hbm4b:s8+s20], $0x10, s18, s20, $0xb8;
	[tilespmem:$0xB7A0] =	vst v63  }
0x2b: {  	v2 =	vld [tilespmem:s0+$0x4EA0]  }
0x2c: {  	v3 =	vld [tilespmem:s0+$0x4E20];
	_ =	sdelay $0x6  }
0x2d: {  	v2 =	vld.idx.msk [tilespmem:v2+s17+$0x0], $0xffff  }
0x2e: {  	v3 =	vld.idx.msk [tilespmem:v3+s3+$0x0], $0xffff;
	_ =	sdelay $0x4  }
0x2f: {  	v2 =	vadd.f32 v2, v3;
	_ =	sdelay $0x1  }
0x30: {  	v3 =	vmul.f32 $2.000000030e-01, v2  }
0x31: {  	vm1 =	vge.f32 v2, $0.0e+00  }
0x32: {  	v2 =	vsel vm1, v2, v3  }
0x33: {  	v2 =	vmul.f32 $1.442695020e+00, v2;
	_ =	sdelay $0x1  }
0x34: {  	(erf) = vpow2.f32 v2;
	_ =	sdelay $0x2  }
0x35: {  	s29 =	simm.s32 $0x10  }
0x36: {  	v2 =	vld [tilespmem:s29+$0x4EA0]  }
0x37: {  	v3 =	vld [tilespmem:s29+$0x4E20];
	_ =	sdelay $0x3  }
0x38: {  	p0 =	slt.u32 s26, $0x50910;
	v4 =	vpop (erf)  }
0x39: {  	v4 =	vpsel !p0, $0x0, v4  }
0x3a: {  	[tilespmem:s0+$0x6720] =	vst v4  }
0x3b: {  	v2 =	vld.idx.msk [tilespmem:v2+s17+$0x0], $0xffff  }
0x3c: {  	v3 =	vld.idx.msk [tilespmem:v3+s3+$0x0], $0xffff;
	_ =	sdelay $0x4  }
0x3d: {  	v2 =	vadd.f32 v2, v3;
	_ =	sdelay $0x1  }
0x3e: {  	v3 =	vmul.f32 $2.000000030e-01, v2  }
0x3f: {  	vm1 =	vge.f32 v2, $0.0e+00  }
0x40: {  	v2 =	vsel vm1, v2, v3  }
0x41: {  	v2 =	vmul.f32 $1.442695020e+00, v2;
	_ =	sdelay $0x1  }
0x42: {  	(erf) = vpow2.f32 v2;
	_ =	sdelay $0x2  }
0x43: {  	s0 =	simm.s32 $0x20  }
0x44: {  	s31 =	simm.s32 $0xC0;
	s30 =	smov.u32 s26;
	v2 =	vld [tilespmem:s0+$0x4EA0]  }
.LBB2_3:
0x45: {  	p0 =	sne.s32 s31, $0x1C0;
	v3 =	vld [tilespmem:s0+$0x4E20];
	_ =	sdelay $0x2  }
0x46: {  	s30 =	sadd.s32 $0x10, s30  }
0x47: {  	p1 =	slt.u32 s30, $0x50910;
	v4 =	vpop (erf)  }
0x48: {  	v4 =	vpsel !p1, $0x0, v4  }
0x49: {  	[tilespmem:s29+$0x6720] =	vst v4;
	s29 =	smov.u32 s0  }
0x4a: {  	v2 =	vld.idx.msk [tilespmem:v2+s17+$0x0], $0xffff  }
0x4b: {  	v3 =	vld.idx.msk [tilespmem:v3+s3+$0x0], $0xffff;
	_ =	sdelay $0x5  }
0x4c: {  	v2 =	vadd.f32 v2, v3;
	_ =	sdelay $0x1  }
0x4d: {  	v3 =	vmul.f32 $2.000000030e-01, v2  }
0x4e: {  	vm1 =	vge.f32 v2, $0.0e+00  }
0x4f: {  	v2 =	vsel vm1, v2, v3  }
0x50: {  	v2 =	vmul.f32 $1.442695020e+00, v2;
	_ =	sdelay $0x1  }
.Ltmp0:
0x51: {  	(erf) = vpow2.f32 v2;
	(pc) =	sbr.rel @p0 .LBB2_3-.Ltmp0, $3  }
0x52: {  	_ =	sdelay $0x1  }
0x53: {  	s0 =	sshra.s32 s31, $0x2  }
0x54: {  	s31 =	sadd.s32 $0x40, s31;
	v2 =	vld [tilespmem:s0+$0x4EA0]  }
0x55: {  	_ = 	snop  }
0x56: {  	v3 =	vld [tilespmem:s0+$0x4E20];
	_ =	sdelay $0x2  }
0x57: {  	s30 =	sadd.s32 $0x10, s30  }
0x58: {  	p0 =	slt.u32 s30, $0x50910;
	v4 =	vpop (erf)  }
0x59: {  	v4 =	vpsel !p0, $0x0, v4  }
0x5a: {  	[tilespmem:s29+$0x6720] =	vst v4  }
0x5b: {  	v2 =	vld.idx.msk [tilespmem:v2+s17+$0x0], $0xffff  }
0x5c: {  	v3 =	vld.idx.msk [tilespmem:v3+s3+$0x0], $0xffff;
	_ =	sdelay $0x4  }
0x5d: {  	v2 =	vadd.f32 v2, v3;
	_ =	sdelay $0x1  }
0x5e: {  	v3 =	vmul.f32 $2.000000030e-01, v2  }
0x5f: {  	vm1 =	vge.f32 v2, $0.0e+00  }
0x60: {  	v2 =	vsel vm1, v2, v3  }
0x61: {  	v2 =	vmul.f32 $1.442695020e+00, v2;
	_ =	sdelay $0x1  }
0x62: {  	(erf) = vpow2.f32 v2;
	_ =	sdelay $0x6  }
0x63: {  	s31 =	simm.s32 $0x0  }
0x64: {  	s30 =	sadd.s32 $0x10, s30;
	v4 =	vmov s31  }
0x65: {  	p6 =	slt.u32 s30, $0x50910;
	v3 =	vshll.u32 v4, $0x4;
	v2 =	vpop (erf)  }
0x66: {  	v3 =	vor.u32 v0, v3;
	v2 =	vpsel !p6, $0x0, v2  }
0x67: {  	[tilespmem:s0+$0x6720] =	vst v2  }
0x68: {  	_ =	swait.ge [sflag:s22], $0x800  }
0x69: {  	[sflag:s22] =	ssyncset.done $0x0  }
0x6a: {  	[sflag:s22] =	ssyncadd.s32 $0xFFFFF800  }
0x6b: {  	v3 =	vld.idx.msk [tilespmem:v3+s21+$0x0], $0xffff  }
0x6c: {  	v6 =	vshll.u32 v4, $0x5;
	v4 =	vld.idx.msk [tilespmem:v4+s23+$0x0], $0xffff  }
0x6d: {  	s31 =	simm.s32 $0x1  }
0x6e: {  	v5 =	vor.u32 v0, v6;
	v2 =	vmov s31  }
0x6f: {  	v6 =	vor.u32 v1, v6;
	v7 =	vshll.u32 v2, $0x4  }
0x70: {  	s0 =	simm.s32 $0x2;
	v7 =	vor.u32 v0, v7  }
.LBB2_5:
0x71: {  	p0 =	sne.s32 s0, $0x7F;
	v3 =	vmul.f32 v3, v4;
	v4 =	vnsel vm0, $0x0, v4;
	_ =	sdelay $0x1  }
0x72: {  	[tilespmem:v5+s24+$0x0] =	vst.idx.msk $0xffff, v3  }
0x73: {  	[tilespmem:v6+s24+$0x0] =	vst.idx.msk $0xffff, v4  }
0x74: {  	v3 =	vld.idx.msk [tilespmem:v7+s21+$0x0], $0xffff  }
0x75: {  	v4 =	vld.idx.msk [tilespmem:v2+s23+$0x0], $0xffff  }
.Ltmp1:
0x76: {  	(pc) =	sbr.rel @p0 .LBB2_5-.Ltmp1, $4  }
0x77: {  	v6 =	vshll.u32 v2, $0x5  }
0x78: {  	v5 =	vor.u32 v0, v6;
	v2 =	vmov s0  }
0x79: {  	v6 =	vor.u32 v1, v6;
	v7 =	vshll.u32 v2, $0x4  }
0x7a: {  	s0 =	sadd.s32 $0x1, s0;
	v7 =	vor.u32 v0, v7  }
0x7b: {  	_ =	sdelay $0x1  }
0x7c: {  	v3 =	vmul.f32 v3, v4;
	_ =	sdelay $0x1  }
0x7d: {  	v62 =	vnsel vm0, $0x0, v4;
	[tilespmem:v5+s24+$0x0] =	vst.idx.msk $0xffff, v3  }
0x7e: {  	[tilespmem:v6+s24+$0x0] =	vst.idx.msk $0xffff, v62  }
0x7f: {  	v3 =	vld.idx.msk [tilespmem:v7+s21+$0x0], $0xffff  }
0x80: {  	v4 =	vld.idx.msk [tilespmem:v2+s23+$0x0], $0xffff  }
0x81: {  	v2 =	vshll.u32 v2, $0x5  }
0x82: {  	v63 =	vor.u32 v0, v2  }
0x83: {  	v2 =	vor.u32 v1, v2;
	_ =	sdelay $0x1  }
0x84: {  	v3 =	vmul.f32 v3, v4  }
0x85: {  	s28 =	sadd.s32 $0x1, s28  }
0x86: {  	p0 =	sne.s32 s28, $0x51;
	v4 =	vnsel vm0, $0x0, v4;
	[tilespmem:v63+s24+$0x0] =	vst.idx.msk $0xffff, v3  }
.Ltmp2:
0x87: {  	[tilespmem:v2+s24+$0x0] =	vst.idx.msk $0xffff, v4;
	(pc) =	sbr.rel @p0 .LBB2_2-.Ltmp2, $4  }
0x88: {  	[spmem:s1] =	stream.indirect.scatter.add.f32 [tilespmem:s24], [sflag:$0x2], $0x20, s19, s20, $0xb8;
	[tilespmem:$0xB7A0] =	vst v63  }
0x89: {  	_ =	swait.ge [sflag:s16], $0x1000  }
0x8a: {  	[sflag:s16] =	ssyncset.done $0x0  }
0x8b: {  	s26 =	sadd.s32 $0x80, s26;
	[sflag:s16] =	ssyncadd.s32 $0xFFFFF000  }
0x8c: {  	s25 =	sadd.s32 $0x1, s25  }
0x8d: {  	p0 =	sne.s32 s25, s13  }
.Ltmp3:
0x8e: {  	[bflag:$0x0] =	sbarrier.arrive $0xFFFF;
	(pc) =	sbr.rel @p0 .LBB2_1-.Ltmp3, $4  }
0x8f: {  	[hbm:s12], [sflag:s11] =	dma.local [spmem:s15], $0xA00  }
0x90: {  	_ =	swait.ge [sflag:s16], $0xA00  }
0x91: {  	[sflag:s16] =	ssyncset.done $0x0  }
0x92: {  	[sflag:s16] =	ssyncadd.s32 $0xFFFFF600  }
0x93: {  	_ =	sfence.sel $0x180000  }
0x94: {  	[bflag:$0x0] =	sbarrier.arrive $0xFFFF  }
0x95: {  	_ =	strace $0x90000047  }
0x96: {  	[bflag:$0x2] =	sbarrier.arrive $0xFFFF  }
0x97: {  	p0 =	sne.s32 s2, $0x0;
	s0 =	rddreg [dreg:$0x2]  }
0x98: {  	s0 =	sadd.s32 @!p0 $0x100000, s0  }
0x99: {  	[sflag:s0] =	ssyncadd.tile.s32 @!p0 $0x1;
	_ =	shalt  }
.Lfunc_end2:
_tile_overlayer_lowered:
.L_overlay_start_2:
0x9a: {  	(tag) =	ssettag $0x2  }
0x9b: {  	s0 =	rddreg [dreg:$0x0];
	s2 =	stileid.u32  }
0x9c: {  	s1 =	rddreg [dreg:$0x1];
	p0 =	sne.s32 s2, $0x0  }
0x9d: {  	s3 =	rddreg [dreg:$0x2];
	[bflag:$0x3] =	sbarrier.arrive $0xFFFF;
	s2 =	simm.s32 @!p0 $0x1C02  }
0x9e: {  	[timem:s3], [sflag:s2] =	dma.local @!p0 [hbm:s0], s1  }
0x9f: {  	s0 =	simm.s32 @!p0 $0x2  }
0xa0: {  	_ =	swait.ge @!p0 [sflag:s0], s1  }
0xa1: {  	s1 =	ssub.s32 @!p0 $0x0, s1;
	[sflag:s0] =	ssyncset.done @!p0 $0x0  }
0xa2: {  	[sflag:s0] =	ssyncadd.s32 @!p0 s1  }
0xa3: {  	[bflag:$0x3] =	sbarrier.arrive $0xFFFF  }
0xa4: {  	_ =	shalt  }

</sc_bundles>
